<compile_context>
chip_gen: v7x
topology: tpu7x:2x2x1
jax: 0.10.2.dev20260603
libtpu: 0.0.44.dev20260713+nightly
codegen_flags: <defaults>
</compile_context>

<pallas_src>
import functools

import jax
import jax.numpy as jnp
from jax import lax
from jax.experimental import pallas as pl
from jax.experimental.pallas import tpu as pltpu
from jax.experimental.pallas import tpu_sc as plsc

BATCH = 16384
HIST = 50
DIM = 64
NUM_CORES = 2
NUM_SUBCORES = 16
NUM_WORKERS = NUM_CORES * NUM_SUBCORES
ROWS_PER_W = BATCH // NUM_WORKERS
CHUNK = 128
NCHUNK = ROWS_PER_W // CHUNK
LANES = 16
NGROUP = ROWS_PER_W // LANES


def _sc_body(table_hbm, idx_hbm, out_hbm, slab_v, idx_t, acc_v, sem):
    wid = lax.axis_index("s") * NUM_CORES + lax.axis_index("c")
    pltpu.sync_copy(idx_hbm.at[wid], slab_v)

    biota = lax.iota(jnp.int32, LANES) * HIST

    def transpose_row(l):
        for g in range(NGROUP):
            addrs = biota + (g * (LANES * HIST) + l)
            v = plsc.load_gather(slab_v, [addrs])
            s, o = divmod(g * LANES, CHUNK)
            idx_t[l, s, pl.ds(o, LANES)] = v

    transpose_row(0)
    for s in range(NCHUNK):
        pltpu.async_copy(
            table_hbm.at[idx_t.at[0, s]],
            acc_v.at[pl.ds(s * CHUNK, CHUNK)],
            sem,
        )
    for s in range(NCHUNK):
        pltpu.make_async_copy(
            table_hbm.at[idx_t.at[0, s]],
            acc_v.at[pl.ds(s * CHUNK, CHUNK)],
            sem,
        ).wait()

    @pl.loop(1, HIST)
    def _(l):
        transpose_row(l)
        for s in range(NCHUNK):
            pltpu.async_copy(
                table_hbm.at[idx_t.at[l, s]],
                acc_v.at[pl.ds(s * CHUNK, CHUNK)],
                sem,
                add=True,
            )

    @pl.loop(1, HIST)
    def _(l):
        for s in range(NCHUNK):
            pltpu.make_async_copy(
                table_hbm.at[idx_t.at[l, s]],
                acc_v.at[pl.ds(s * CHUNK, CHUNK)],
                sem,
            ).wait()

    pltpu.sync_copy(acc_v, out_hbm.at[pl.ds(wid * ROWS_PER_W, ROWS_PER_W)])


@functools.partial(
    pl.kernel,
    out_type=jax.ShapeDtypeStruct((BATCH, DIM), jnp.float32),
    mesh=plsc.VectorSubcoreMesh(
        core_axis_name="c", subcore_axis_name="s",
        num_cores=NUM_CORES, num_subcores=NUM_SUBCORES,
    ),
    scratch_types=[
        pltpu.VMEM((ROWS_PER_W * HIST,), jnp.int32),
        pltpu.VMEM((HIST, NCHUNK, CHUNK), jnp.int32),
        pltpu.VMEM((ROWS_PER_W, DIM), jnp.float32),
        pltpu.SemaphoreType.DMA,
    ],
    compiler_params=pltpu.CompilerParams(
        use_tc_tiling_on_sc=False, needs_layout_passes=False,
    ),
)
def _sc_embed_sum(table_hbm, idx_hbm, out_hbm, slab_v, idx_t, acc_v, sem):
    _sc_body(table_hbm, idx_hbm, out_hbm, slab_v, idx_t, acc_v, sem)


def kernel(x, table):
    idx = x.reshape(NUM_WORKERS, ROWS_PER_W * HIST)
    return _sc_embed_sum(table, idx)

# --- scband reference (transcript-rebuilt; emitter-appended) ---
"""Pipeline reference for scband-text-embedding-encoder-10479720202304 (READ-ONLY COPY).

The authoritative reference and input builder live on the scoring server;
editing this copy changes nothing except your own understanding.
"""

import jax, jax.numpy as jnp
import numpy as np

VOCAB = 1000000
EMBED_DIM = 64
BATCH = 16384
HIST = 50

def setup_inputs(seed: int = 0) -> dict:
    key = jax.random.key(seed)
    k1, k2 = jax.random.split(key)
    x = jax.random.randint(k1, (BATCH, HIST), 0, VOCAB, dtype=jnp.int32)
    table = jax.random.normal(k2, (VOCAB, EMBED_DIM), dtype=jnp.float32) * 0.02
    return {"x": x, "table": table}

def reference(x, table):
    # TextEmbedding lookup: [B, L] -> [B, L, D]
    emb = jnp.take(table, x, axis=0)
    # operator == 'sum': reduce over sequence dim
    out = emb.sum(axis=1)
    # .squeeze()
    return jnp.squeeze(out)

if __name__ == "__main__":
    import jax
    _d = setup_inputs()
    print(jax.jit(kernel)(*tuple(_d.values())))

</pallas_src>

<mosaic_0001>
#map = affine_map<(d0, d1) -> (0, 0)>
module attributes {stable_mosaic.version = 14 : i64} {
  func.func @_sc_embed_sum(%arg0: i32, %arg1: i32, %arg2: memref<1000000x64xf32, #tpu.memory_space<hbm>>, %arg3: memref<32x25600xi32, #tpu.memory_space<hbm>>, %arg4: memref<16384x64xf32, #tpu.memory_space<hbm>>, %arg5: memref<25600xi32, #tpu.memory_space<vmem>>, %arg6: memref<50x4x128xi32, #tpu.memory_space<vmem>>, %arg7: memref<512x64xf32, #tpu.memory_space<vmem>>, %arg8: memref<!tpu.dma_semaphore, #tpu.memory_space<semaphore_mem>>) attributes {dimension_semantics = [#tpu.dimension_semantics<core_parallel>, #tpu.dimension_semantics<subcore_parallel>], iteration_bounds = array<i64: 2, 16>, scalar_prefetch = 0 : i64, scratch_operands = 4 : i64, tpu.core_type = #tpu.core_type<sc_vector_subcore>, window_params = [{transform_indices = #map}, {transform_indices = #map}, {transform_indices = #map}]} {
    %mul3A = arith.constant 2 : i32
    %mul3A_0 = arith.muli %arg1, %mul3A : i32
    %add3A = arith.addi %mul3A_0, %arg0 : i32
    "tpu.region"() ({
      %run_scoped3A = tpu.sem_alloc : memref<!tpu.dma_semaphore, #tpu.memory_space<semaphore_mem>>
      %dma_start3A_419 = arith.constant 0 : i32
      %dma_start3A_420 = tpu.memref_slice %arg3[%add3A, %dma_start3A_419] : memref<32x25600xi32, #tpu.memory_space<hbm>> -> memref<1x25600xi32, #tpu.memory_space<hbm>>
      %dma_start3A_421 = tpu.memref_squeeze %dma_start3A_420 : memref<1x25600xi32, #tpu.memory_space<hbm>> -> memref<25600xi32, #tpu.memory_space<hbm>>
      %dma_start3A_422 = arith.constant 0 : i32
      %dma_start3A_423 = tpu.memref_slice %arg3[%add3A, %dma_start3A_422] : memref<32x25600xi32, #tpu.memory_space<hbm>> -> memref<1x25600xi32, #tpu.memory_space<hbm>>
      %dma_start3A_424 = tpu.memref_squeeze %dma_start3A_423 : memref<1x25600xi32, #tpu.memory_space<hbm>> -> memref<25600xi32, #tpu.memory_space<hbm>>
      tpu.enqueue_dma source(%dma_start3A_424 : memref<25600xi32, #tpu.memory_space<hbm>>) target(%arg5 : memref<25600xi32, #tpu.memory_space<vmem>>) target_semaphore(%run_scoped3A : memref<!tpu.dma_semaphore, #tpu.memory_space<semaphore_mem>>)
      %dma_wait3A_425 = arith.constant 0 : i32
      %dma_wait3A_426 = tpu.memref_slice %arg3[%add3A, %dma_wait3A_425] : memref<32x25600xi32, #tpu.memory_space<hbm>> -> memref<1x25600xi32, #tpu.memory_space<hbm>>
      %dma_wait3A_427 = tpu.memref_squeeze %dma_wait3A_426 : memref<1x25600xi32, #tpu.memory_space<hbm>> -> memref<25600xi32, #tpu.memory_space<hbm>>
      %dma_wait3A_428 = arith.constant 0 : i32
      %dma_wait3A_429 = tpu.memref_slice %arg3[%add3A, %dma_wait3A_428] : memref<32x25600xi32, #tpu.memory_space<hbm>> -> memref<1x25600xi32, #tpu.memory_space<hbm>>
      %dma_wait3A_430 = tpu.memref_squeeze %dma_wait3A_429 : memref<1x25600xi32, #tpu.memory_space<hbm>> -> memref<25600xi32, #tpu.memory_space<hbm>>
      tpu.wait_dma2 semaphore(%run_scoped3A : memref<!tpu.dma_semaphore, #tpu.memory_space<semaphore_mem>>) src(%dma_wait3A_430 : memref<25600xi32, #tpu.memory_space<hbm>>) dst(%arg5 : memref<25600xi32, #tpu.memory_space<vmem>>)
      tpu.yield
    }) : () -> ()
    %iota3A = tpu.iota {dimensions = array<i32: 0>} : vector<16xi32>
    %mul3A_1 = arith.constant 50 : i32
    %mul3A_2 = vector.broadcast %mul3A_1 : i32 to vector<16xi32>
    %mul3A_3 = arith.muli %iota3A, %mul3A_2 : vector<16xi32>
    %add3A_4 = arith.constant 0 : i32
    %add3A_5 = vector.broadcast %add3A_4 : i32 to vector<16xi32>
    %add3A_6 = arith.addi %mul3A_3, %add3A_5 : vector<16xi32>
    %gather3A = tpu.vector_load_idx %arg5[%add3A_6] : memref<25600xi32, #tpu.memory_space<vmem>>[vector<16xi32>], vector<16xi32>,
    %swap3A = arith.constant 0 : i32
    %swap3A_7 = arith.constant 0 : i32
    %swap3A_8 = arith.index_cast %swap3A : i32 to index
    %swap3A_9 = arith.index_cast %swap3A_7 : i32 to index
    %swap3A_10 = arith.constant 0 : index
    %swap3A_11 = tpu.vector_load %arg6[%swap3A_8, %swap3A_9, %swap3A_10] {strides = array<i32>} : memref<50x4x128xi32, #tpu.memory_space<vmem>>, vector<16xi32>,
    tpu.vector_store %arg6[%swap3A_8, %swap3A_9, %swap3A_10], %gather3A {strides = array<i32>} : memref<50x4x128xi32, #tpu.memory_space<vmem>>, vector<16xi32>,
    %add3A_12 = arith.constant 800 : i32
    %add3A_13 = vector.broadcast %add3A_12 : i32 to vector<16xi32>
    %add3A_14 = arith.addi %mul3A_3, %add3A_13 : vector<16xi32>
    %gather3A_15 = tpu.vector_load_idx %arg5[%add3A_14] : memref<25600xi32, #tpu.memory_space<vmem>>[vector<16xi32>], vector<16xi32>,
    %swap3A_16 = arith.constant 0 : i32
    %swap3A_17 = arith.constant 0 : i32
    %swap3A_18 = arith.index_cast %swap3A_16 : i32 to index
    %swap3A_19 = arith.index_cast %swap3A_17 : i32 to index
    %swap3A_20 = arith.constant 16 : index
    %swap3A_21 = tpu.vector_load %arg6[%swap3A_18, %swap3A_19, %swap3A_20] {strides = array<i32>} : memref<50x4x128xi32, #tpu.memory_space<vmem>>, vector<16xi32>,
    tpu.vector_store %arg6[%swap3A_18, %swap3A_19, %swap3A_20], %gather3A_15 {strides = array<i32>} : memref<50x4x128xi32, #tpu.memory_space<vmem>>, vector<16xi32>,
    %add3A_22 = arith.constant 1600 : i32
    %add3A_23 = vector.broadcast %add3A_22 : i32 to vector<16xi32>
    %add3A_24 = arith.addi %mul3A_3, %add3A_23 : vector<16xi32>
    %gather3A_25 = tpu.vector_load_idx %arg5[%add3A_24] : memref<25600xi32, #tpu.memory_space<vmem>>[vector<16xi32>], vector<16xi32>,
    %swap3A_26 = arith.constant 0 : i32
    %swap3A_27 = arith.constant 0 : i32
    %swap3A_28 = arith.index_cast %swap3A_26 : i32 to index
    %swap3A_29 = arith.index_cast %swap3A_27 : i32 to index
    %swap3A_30 = arith.constant 32 : index
    %swap3A_31 = tpu.vector_load %arg6[%swap3A_28, %swap3A_29, %swap3A_30] {strides = array<i32>} : memref<50x4x128xi32, #tpu.memory_space<vmem>>, vector<16xi32>,
    tpu.vector_store %arg6[%swap3A_28, %swap3A_29, %swap3A_30], %gather3A_25 {strides = array<i32>} : memref<50x4x128xi32, #tpu.memory_space<vmem>>, vector<16xi32>,
    %add3A_32 = arith.constant 2400 : i32
    %add3A_33 = vector.broadcast %add3A_32 : i32 to vector<16xi32>
    %add3A_34 = arith.addi %mul3A_3, %add3A_33 : vector<16xi32>
    %gather3A_35 = tpu.vector_load_idx %arg5[%add3A_34] : memref<25600xi32, #tpu.memory_space<vmem>>[vector<16xi32>], vector<16xi32>,
    %swap3A_36 = arith.constant 0 : i32
    %swap3A_37 = arith.constant 0 : i32
    %swap3A_38 = arith.index_cast %swap3A_36 : i32 to index
    %swap3A_39 = arith.index_cast %swap3A_37 : i32 to index
    %swap3A_40 = arith.constant 48 : index
    %swap3A_41 = tpu.vector_load %arg6[%swap3A_38, %swap3A_39, %swap3A_40] {strides = array<i32>} : memref<50x4x128xi32, #tpu.memory_space<vmem>>, vector<16xi32>,
    tpu.vector_store %arg6[%swap3A_38, %swap3A_39, %swap3A_40], %gather3A_35 {strides = array<i32>} : memref<50x4x128xi32, #tpu.memory_space<vmem>>, vector<16xi32>,
    %add3A_42 = arith.constant 3200 : i32
    %add3A_43 = vector.broadcast %add3A_42 : i32 to vector<16xi32>
    %add3A_44 = arith.addi %mul3A_3, %add3A_43 : vector<16xi32>
    %gather3A_45 = tpu.vector_load_idx %arg5[%add3A_44] : memref<25600xi32, #tpu.memory_space<vmem>>[vector<16xi32>], vector<16xi32>,
    %swap3A_46 = arith.constant 0 : i32
    %swap3A_47 = arith.constant 0 : i32
    %swap3A_48 = arith.index_cast %swap3A_46 : i32 to index
    %swap3A_49 = arith.index_cast %swap3A_47 : i32 to index
    %swap3A_50 = arith.constant 64 : index
    %swap3A_51 = tpu.vector_load %arg6[%swap3A_48, %swap3A_49, %swap3A_50] {strides = array<i32>} : memref<50x4x128xi32, #tpu.memory_space<vmem>>, vector<16xi32>,
    tpu.vector_store %arg6[%swap3A_48, %swap3A_49, %swap3A_50], %gather3A_45 {strides = array<i32>} : memref<50x4x128xi32, #tpu.memory_space<vmem>>, vector<16xi32>,
    %add3A_52 = arith.constant 4000 : i32
    %add3A_53 = vector.broadcast %add3A_52 : i32 to vector<16xi32>
    %add3A_54 = arith.addi %mul3A_3, %add3A_53 : vector<16xi32>
    %gather3A_55 = tpu.vector_load_idx %arg5[%add3A_54] : memref<25600xi32, #tpu.memory_space<vmem>>[vector<16xi32>], vector<16xi32>,
    %swap3A_56 = arith.constant 0 : i32
    %swap3A_57 = arith.constant 0 : i32
    %swap3A_58 = arith.index_cast %swap3A_56 : i32 to index
    %swap3A_59 = arith.index_cast %swap3A_57 : i32 to index
    %swap3A_60 = arith.constant 80 : index
    %swap3A_61 = tpu.vector_load %arg6[%swap3A_58, %swap3A_59, %swap3A_60] {strides = array<i32>} : memref<50x4x128xi32, #tpu.memory_space<vmem>>, vector<16xi32>,
    tpu.vector_store %arg6[%swap3A_58, %swap3A_59, %swap3A_60], %gather3A_55 {strides = array<i32>} : memref<50x4x128xi32, #tpu.memory_space<vmem>>, vector<16xi32>,
    %add3A_62 = arith.constant 4800 : i32
    %add3A_63 = vector.broadcast %add3A_62 : i32 to vector<16xi32>
    %add3A_64 = arith.addi %mul3A_3, %add3A_63 : vector<16xi32>
    %gather3A_65 = tpu.vector_load_idx %arg5[%add3A_64] : memref<25600xi32, #tpu.memory_space<vmem>>[vector<16xi32>], vector<16xi32>,
    %swap3A_66 = arith.constant 0 : i32
    %swap3A_67 = arith.constant 0 : i32
    %swap3A_68 = arith.index_cast %swap3A_66 : i32 to index
    %swap3A_69 = arith.index_cast %swap3A_67 : i32 to index
    %swap3A_70 = arith.constant 96 : index
    %swap3A_71 = tpu.vector_load %arg6[%swap3A_68, %swap3A_69, %swap3A_70] {strides = array<i32>} : memref<50x4x128xi32, #tpu.memory_space<vmem>>, vector<16xi32>,
    tpu.vector_store %arg6[%swap3A_68, %swap3A_69, %swap3A_70], %gather3A_65 {strides = array<i32>} : memref<50x4x128xi32, #tpu.memory_space<vmem>>, vector<16xi32>,
    %add3A_72 = arith.constant 5600 : i32
    %add3A_73 = vector.broadcast %add3A_72 : i32 to vector<16xi32>
    %add3A_74 = arith.addi %mul3A_3, %add3A_73 : vector<16xi32>
    %gather3A_75 = tpu.vector_load_idx %arg5[%add3A_74] : memref<25600xi32, #tpu.memory_space<vmem>>[vector<16xi32>], vector<16xi32>,
    %swap3A_76 = arith.constant 0 : i32
    %swap3A_77 = arith.constant 0 : i32
    %swap3A_78 = arith.index_cast %swap3A_76 : i32 to index
    %swap3A_79 = arith.index_cast %swap3A_77 : i32 to index
    %swap3A_80 = arith.constant 112 : index
    %swap3A_81 = tpu.vector_load %arg6[%swap3A_78, %swap3A_79, %swap3A_80] {strides = array<i32>} : memref<50x4x128xi32, #tpu.memory_space<vmem>>, vector<16xi32>,
    tpu.vector_store %arg6[%swap3A_78, %swap3A_79, %swap3A_80], %gather3A_75 {strides = array<i32>} : memref<50x4x128xi32, #tpu.memory_space<vmem>>, vector<16xi32>,
    %add3A_82 = arith.constant 6400 : i32
    %add3A_83 = vector.broadcast %add3A_82 : i32 to vector<16xi32>
    %add3A_84 = arith.addi %mul3A_3, %add3A_83 : vector<16xi32>
    %gather3A_85 = tpu.vector_load_idx %arg5[%add3A_84] : memref<25600xi32, #tpu.memory_space<vmem>>[vector<16xi32>], vector<16xi32>,
    %swap3A_86 = arith.constant 0 : i32
    %swap3A_87 = arith.constant 1 : i32
    %swap3A_88 = arith.index_cast %swap3A_86 : i32 to index
    %swap3A_89 = arith.index_cast %swap3A_87 : i32 to index
    %swap3A_90 = arith.constant 0 : index
    %swap3A_91 = tpu.vector_load %arg6[%swap3A_88, %swap3A_89, %swap3A_90] {strides = array<i32>} : memref<50x4x128xi32, #tpu.memory_space<vmem>>, vector<16xi32>,
    tpu.vector_store %arg6[%swap3A_88, %swap3A_89, %swap3A_90], %gather3A_85 {strides = array<i32>} : memref<50x4x128xi32, #tpu.memory_space<vmem>>, vector<16xi32>,
    %add3A_92 = arith.constant 7200 : i32
    %add3A_93 = vector.broadcast %add3A_92 : i32 to vector<16xi32>
    %add3A_94 = arith.addi %mul3A_3, %add3A_93 : vector<16xi32>
    %gather3A_95 = tpu.vector_load_idx %arg5[%add3A_94] : memref<25600xi32, #tpu.memory_space<vmem>>[vector<16xi32>], vector<16xi32>,
    %swap3A_96 = arith.constant 0 : i32
    %swap3A_97 = arith.constant 1 : i32
    %swap3A_98 = arith.index_cast %swap3A_96 : i32 to index
    %swap3A_99 = arith.index_cast %swap3A_97 : i32 to index
    %swap3A_100 = arith.constant 16 : index
    %swap3A_101 = tpu.vector_load %arg6[%swap3A_98, %swap3A_99, %swap3A_100] {strides = array<i32>} : memref<50x4x128xi32, #tpu.memory_space<vmem>>, vector<16xi32>,
    tpu.vector_store %arg6[%swap3A_98, %swap3A_99, %swap3A_100], %gather3A_95 {strides = array<i32>} : memref<50x4x128xi32, #tpu.memory_space<vmem>>, vector<16xi32>,
    %add3A_102 = arith.constant 8000 : i32
    %add3A_103 = vector.broadcast %add3A_102 : i32 to vector<16xi32>
    %add3A_104 = arith.addi %mul3A_3, %add3A_103 : vector<16xi32>
    %gather3A_105 = tpu.vector_load_idx %arg5[%add3A_104] : memref<25600xi32, #tpu.memory_space<vmem>>[vector<16xi32>], vector<16xi32>,
    %swap3A_106 = arith.constant 0 : i32
    %swap3A_107 = arith.constant 1 : i32
    %swap3A_108 = arith.index_cast %swap3A_106 : i32 to index
    %swap3A_109 = arith.index_cast %swap3A_107 : i32 to index
    %swap3A_110 = arith.constant 32 : index
    %swap3A_111 = tpu.vector_load %arg6[%swap3A_108, %swap3A_109, %swap3A_110] {strides = array<i32>} : memref<50x4x128xi32, #tpu.memory_space<vmem>>, vector<16xi32>,
    tpu.vector_store %arg6[%swap3A_108, %swap3A_109, %swap3A_110], %gather3A_105 {strides = array<i32>} : memref<50x4x128xi32, #tpu.memory_space<vmem>>, vector<16xi32>,
    %add3A_112 = arith.constant 8800 : i32
    %add3A_113 = vector.broadcast %add3A_112 : i32 to vector<16xi32>
    %add3A_114 = arith.addi %mul3A_3, %add3A_113 : vector<16xi32>
    %gather3A_115 = tpu.vector_load_idx %arg5[%add3A_114] : memref<25600xi32, #tpu.memory_space<vmem>>[vector<16xi32>], vector<16xi32>,
    %swap3A_116 = arith.constant 0 : i32
    %swap3A_117 = arith.constant 1 : i32
    %swap3A_118 = arith.index_cast %swap3A_116 : i32 to index
    %swap3A_119 = arith.index_cast %swap3A_117 : i32 to index
    %swap3A_120 = arith.constant 48 : index
    %swap3A_121 = tpu.vector_load %arg6[%swap3A_118, %swap3A_119, %swap3A_120] {strides = array<i32>} : memref<50x4x128xi32, #tpu.memory_space<vmem>>, vector<16xi32>,
    tpu.vector_store %arg6[%swap3A_118, %swap3A_119, %swap3A_120], %gather3A_115 {strides = array<i32>} : memref<50x4x128xi32, #tpu.memory_space<vmem>>, vector<16xi32>,
    %add3A_122 = arith.constant 9600 : i32
    %add3A_123 = vector.broadcast %add3A_122 : i32 to vector<16xi32>
    %add3A_124 = arith.addi %mul3A_3, %add3A_123 : vector<16xi32>
    %gather3A_125 = tpu.vector_load_idx %arg5[%add3A_124] : memref<25600xi32, #tpu.memory_space<vmem>>[vector<16xi32>], vector<16xi32>,
    %swap3A_126 = arith.constant 0 : i32
    %swap3A_127 = arith.constant 1 : i32
    %swap3A_128 = arith.index_cast %swap3A_126 : i32 to index
    %swap3A_129 = arith.index_cast %swap3A_127 : i32 to index
    %swap3A_130 = arith.constant 64 : index
    %swap3A_131 = tpu.vector_load %arg6[%swap3A_128, %swap3A_129, %swap3A_130] {strides = array<i32>} : memref<50x4x128xi32, #tpu.memory_space<vmem>>, vector<16xi32>,
    tpu.vector_store %arg6[%swap3A_128, %swap3A_129, %swap3A_130], %gather3A_125 {strides = array<i32>} : memref<50x4x128xi32, #tpu.memory_space<vmem>>, vector<16xi32>,
    %add3A_132 = arith.constant 10400 : i32
    %add3A_133 = vector.broadcast %add3A_132 : i32 to vector<16xi32>
    %add3A_134 = arith.addi %mul3A_3, %add3A_133 : vector<16xi32>
    %gather3A_135 = tpu.vector_load_idx %arg5[%add3A_134] : memref<25600xi32, #tpu.memory_space<vmem>>[vector<16xi32>], vector<16xi32>,
    %swap3A_136 = arith.constant 0 : i32
    %swap3A_137 = arith.constant 1 : i32
    %swap3A_138 = arith.index_cast %swap3A_136 : i32 to index
    %swap3A_139 = arith.index_cast %swap3A_137 : i32 to index
    %swap3A_140 = arith.constant 80 : index
    %swap3A_141 = tpu.vector_load %arg6[%swap3A_138, %swap3A_139, %swap3A_140] {strides = array<i32>} : memref<50x4x128xi32, #tpu.memory_space<vmem>>, vector<16xi32>,
    tpu.vector_store %arg6[%swap3A_138, %swap3A_139, %swap3A_140], %gather3A_135 {strides = array<i32>} : memref<50x4x128xi32, #tpu.memory_space<vmem>>, vector<16xi32>,
    %add3A_142 = arith.constant 11200 : i32
    %add3A_143 = vector.broadcast %add3A_142 : i32 to vector<16xi32>
    %add3A_144 = arith.addi %mul3A_3, %add3A_143 : vector<16xi32>
    %gather3A_145 = tpu.vector_load_idx %arg5[%add3A_144] : memref<25600xi32, #tpu.memory_space<vmem>>[vector<16xi32>], vector<16xi32>,
    %swap3A_146 = arith.constant 0 : i32
    %swap3A_147 = arith.constant 1 : i32
    %swap3A_148 = arith.index_cast %swap3A_146 : i32 to index
    %swap3A_149 = arith.index_cast %swap3A_147 : i32 to index
    %swap3A_150 = arith.constant 96 : index
    %swap3A_151 = tpu.vector_load %arg6[%swap3A_148, %swap3A_149, %swap3A_150] {strides = array<i32>} : memref<50x4x128xi32, #tpu.memory_space<vmem>>, vector<16xi32>,
    tpu.vector_store %arg6[%swap3A_148, %swap3A_149, %swap3A_150], %gather3A_145 {strides = array<i32>} : memref<50x4x128xi32, #tpu.memory_space<vmem>>, vector<16xi32>,
    %add3A_152 = arith.constant 12000 : i32
    %add3A_153 = vector.broadcast %add3A_152 : i32 to vector<16xi32>
    %add3A_154 = arith.addi %mul3A_3, %add3A_153 : vector<16xi32>
    %gather3A_155 = tpu.vector_load_idx %arg5[%add3A_154] : memref<25600xi32, #tpu.memory_space<vmem>>[vector<16xi32>], vector<16xi32>,
    %swap3A_156 = arith.constant 0 : i32
    %swap3A_157 = arith.constant 1 : i32
    %swap3A_158 = arith.index_cast %swap3A_156 : i32 to index
    %swap3A_159 = arith.index_cast %swap3A_157 : i32 to index
    %swap3A_160 = arith.constant 112 : index
    %swap3A_161 = tpu.vector_load %arg6[%swap3A_158, %swap3A_159, %swap3A_160] {strides = array<i32>} : memref<50x4x128xi32, #tpu.memory_space<vmem>>, vector<16xi32>,
    tpu.vector_store %arg6[%swap3A_158, %swap3A_159, %swap3A_160], %gather3A_155 {strides = array<i32>} : memref<50x4x128xi32, #tpu.memory_space<vmem>>, vector<16xi32>,
    %add3A_162 = arith.constant 12800 : i32
    %add3A_163 = vector.broadcast %add3A_162 : i32 to vector<16xi32>
    %add3A_164 = arith.addi %mul3A_3, %add3A_163 : vector<16xi32>
    %gather3A_165 = tpu.vector_load_idx %arg5[%add3A_164] : memref<25600xi32, #tpu.memory_space<vmem>>[vector<16xi32>], vector<16xi32>,
    %swap3A_166 = arith.constant 0 : i32
    %swap3A_167 = arith.constant 2 : i32
    %swap3A_168 = arith.index_cast %swap3A_166 : i32 to index
    %swap3A_169 = arith.index_cast %swap3A_167 : i32 to index
    %swap3A_170 = arith.constant 0 : index
    %swap3A_171 = tpu.vector_load %arg6[%swap3A_168, %swap3A_169, %swap3A_170] {strides = array<i32>} : memref<50x4x128xi32, #tpu.memory_space<vmem>>, vector<16xi32>,
    tpu.vector_store %arg6[%swap3A_168, %swap3A_169, %swap3A_170], %gather3A_165 {strides = array<i32>} : memref<50x4x128xi32, #tpu.memory_space<vmem>>, vector<16xi32>,
    %add3A_172 = arith.constant 13600 : i32
    %add3A_173 = vector.broadcast %add3A_172 : i32 to vector<16xi32>
    %add3A_174 = arith.addi %mul3A_3, %add3A_173 : vector<16xi32>
    %gather3A_175 = tpu.vector_load_idx %arg5[%add3A_174] : memref<25600xi32, #tpu.memory_space<vmem>>[vector<16xi32>], vector<16xi32>,
    %swap3A_176 = arith.constant 0 : i32
    %swap3A_177 = arith.constant 2 : i32
    %swap3A_178 = arith.index_cast %swap3A_176 : i32 to index
    %swap3A_179 = arith.index_cast %swap3A_177 : i32 to index
    %swap3A_180 = arith.constant 16 : index
    %swap3A_181 = tpu.vector_load %arg6[%swap3A_178, %swap3A_179, %swap3A_180] {strides = array<i32>} : memref<50x4x128xi32, #tpu.memory_space<vmem>>, vector<16xi32>,
    tpu.vector_store %arg6[%swap3A_178, %swap3A_179, %swap3A_180], %gather3A_175 {strides = array<i32>} : memref<50x4x128xi32, #tpu.memory_space<vmem>>, vector<16xi32>,
    %add3A_182 = arith.constant 14400 : i32
    %add3A_183 = vector.broadcast %add3A_182 : i32 to vector<16xi32>
    %add3A_184 = arith.addi %mul3A_3, %add3A_183 : vector<16xi32>
    %gather3A_185 = tpu.vector_load_idx %arg5[%add3A_184] : memref<25600xi32, #tpu.memory_space<vmem>>[vector<16xi32>], vector<16xi32>,
    %swap3A_186 = arith.constant 0 : i32
    %swap3A_187 = arith.constant 2 : i32
    %swap3A_188 = arith.index_cast %swap3A_186 : i32 to index
    %swap3A_189 = arith.index_cast %swap3A_187 : i32 to index
    %swap3A_190 = arith.constant 32 : index
    %swap3A_191 = tpu.vector_load %arg6[%swap3A_188, %swap3A_189, %swap3A_190] {strides = array<i32>} : memref<50x4x128xi32, #tpu.memory_space<vmem>>, vector<16xi32>,
    tpu.vector_store %arg6[%swap3A_188, %swap3A_189, %swap3A_190], %gather3A_185 {strides = array<i32>} : memref<50x4x128xi32, #tpu.memory_space<vmem>>, vector<16xi32>,
    %add3A_192 = arith.constant 15200 : i32
    %add3A_193 = vector.broadcast %add3A_192 : i32 to vector<16xi32>
    %add3A_194 = arith.addi %mul3A_3, %add3A_193 : vector<16xi32>
    %gather3A_195 = tpu.vector_load_idx %arg5[%add3A_194] : memref<25600xi32, #tpu.memory_space<vmem>>[vector<16xi32>], vector<16xi32>,
    %swap3A_196 = arith.constant 0 : i32
    %swap3A_197 = arith.constant 2 : i32
    %swap3A_198 = arith.index_cast %swap3A_196 : i32 to index
    %swap3A_199 = arith.index_cast %swap3A_197 : i32 to index
    %swap3A_200 = arith.constant 48 : index
    %swap3A_201 = tpu.vector_load %arg6[%swap3A_198, %swap3A_199, %swap3A_200] {strides = array<i32>} : memref<50x4x128xi32, #tpu.memory_space<vmem>>, vector<16xi32>,
    tpu.vector_store %arg6[%swap3A_198, %swap3A_199, %swap3A_200], %gather3A_195 {strides = array<i32>} : memref<50x4x128xi32, #tpu.memory_space<vmem>>, vector<16xi32>,
    %add3A_202 = arith.constant 16000 : i32
    %add3A_203 = vector.broadcast %add3A_202 : i32 to vector<16xi32>
    %add3A_204 = arith.addi %mul3A_3, %add3A_203 : vector<16xi32>
    %gather3A_205 = tpu.vector_load_idx %arg5[%add3A_204] : memref<25600xi32, #tpu.memory_space<vmem>>[vector<16xi32>], vector<16xi32>,
    %swap3A_206 = arith.constant 0 : i32
    %swap3A_207 = arith.constant 2 : i32
    %swap3A_208 = arith.index_cast %swap3A_206 : i32 to index
    %swap3A_209 = arith.index_cast %swap3A_207 : i32 to index
    %swap3A_210 = arith.constant 64 : index
    %swap3A_211 = tpu.vector_load %arg6[%swap3A_208, %swap3A_209, %swap3A_210] {strides = array<i32>} : memref<50x4x128xi32, #tpu.memory_space<vmem>>, vector<16xi32>,
    tpu.vector_store %arg6[%swap3A_208, %swap3A_209, %swap3A_210], %gather3A_205 {strides = array<i32>} : memref<50x4x128xi32, #tpu.memory_space<vmem>>, vector<16xi32>,
    %add3A_212 = arith.constant 16800 : i32
    %add3A_213 = vector.broadcast %add3A_212 : i32 to vector<16xi32>
    %add3A_214 = arith.addi %mul3A_3, %add3A_213 : vector<16xi32>
    %gather3A_215 = tpu.vector_load_idx %arg5[%add3A_214] : memref<25600xi32, #tpu.memory_space<vmem>>[vector<16xi32>], vector<16xi32>,
    %swap3A_216 = arith.constant 0 : i32
    %swap3A_217 = arith.constant 2 : i32
    %swap3A_218 = arith.index_cast %swap3A_216 : i32 to index
    %swap3A_219 = arith.index_cast %swap3A_217 : i32 to index
    %swap3A_220 = arith.constant 80 : index
    %swap3A_221 = tpu.vector_load %arg6[%swap3A_218, %swap3A_219, %swap3A_220] {strides = array<i32>} : memref<50x4x128xi32, #tpu.memory_space<vmem>>, vector<16xi32>,
    tpu.vector_store %arg6[%swap3A_218, %swap3A_219, %swap3A_220], %gather3A_215 {strides = array<i32>} : memref<50x4x128xi32, #tpu.memory_space<vmem>>, vector<16xi32>,
    %add3A_222 = arith.constant 17600 : i32
    %add3A_223 = vector.broadcast %add3A_222 : i32 to vector<16xi32>
    %add3A_224 = arith.addi %mul3A_3, %add3A_223 : vector<16xi32>
    %gather3A_225 = tpu.vector_load_idx %arg5[%add3A_224] : memref<25600xi32, #tpu.memory_space<vmem>>[vector<16xi32>], vector<16xi32>,
    %swap3A_226 = arith.constant 0 : i32
    %swap3A_227 = arith.constant 2 : i32
    %swap3A_228 = arith.index_cast %swap3A_226 : i32 to index
    %swap3A_229 = arith.index_cast %swap3A_227 : i32 to index
    %swap3A_230 = arith.constant 96 : index
    %swap3A_231 = tpu.vector_load %arg6[%swap3A_228, %swap3A_229, %swap3A_230] {strides = array<i32>} : memref<50x4x128xi32, #tpu.memory_space<vmem>>, vector<16xi32>,
    tpu.vector_store %arg6[%swap3A_228, %swap3A_229, %swap3A_230], %gather3A_225 {strides = array<i32>} : memref<50x4x128xi32, #tpu.memory_space<vmem>>, vector<16xi32>,
    %add3A_232 = arith.constant 18400 : i32
    %add3A_233 = vector.broadcast %add3A_232 : i32 to vector<16xi32>
    %add3A_234 = arith.addi %mul3A_3, %add3A_233 : vector<16xi32>
    %gather3A_235 = tpu.vector_load_idx %arg5[%add3A_234] : memref<25600xi32, #tpu.memory_space<vmem>>[vector<16xi32>], vector<16xi32>,
    %swap3A_236 = arith.constant 0 : i32
    %swap3A_237 = arith.constant 2 : i32
    %swap3A_238 = arith.index_cast %swap3A_236 : i32 to index
    %swap3A_239 = arith.index_cast %swap3A_237 : i32 to index
    %swap3A_240 = arith.constant 112 : index
    %swap3A_241 = tpu.vector_load %arg6[%swap3A_238, %swap3A_239, %swap3A_240] {strides = array<i32>} : memref<50x4x128xi32, #tpu.memory_space<vmem>>, vector<16xi32>,
    tpu.vector_store %arg6[%swap3A_238, %swap3A_239, %swap3A_240], %gather3A_235 {strides = array<i32>} : memref<50x4x128xi32, #tpu.memory_space<vmem>>, vector<16xi32>,
    %add3A_242 = arith.constant 19200 : i32
    %add3A_243 = vector.broadcast %add3A_242 : i32 to vector<16xi32>
    %add3A_244 = arith.addi %mul3A_3, %add3A_243 : vector<16xi32>
    %gather3A_245 = tpu.vector_load_idx %arg5[%add3A_244] : memref<25600xi32, #tpu.memory_space<vmem>>[vector<16xi32>], vector<16xi32>,
    %swap3A_246 = arith.constant 0 : i32
    %swap3A_247 = arith.constant 3 : i32
    %swap3A_248 = arith.index_cast %swap3A_246 : i32 to index
    %swap3A_249 = arith.index_cast %swap3A_247 : i32 to index
    %swap3A_250 = arith.constant 0 : index
    %swap3A_251 = tpu.vector_load %arg6[%swap3A_248, %swap3A_249, %swap3A_250] {strides = array<i32>} : memref<50x4x128xi32, #tpu.memory_space<vmem>>, vector<16xi32>,
    tpu.vector_store %arg6[%swap3A_248, %swap3A_249, %swap3A_250], %gather3A_245 {strides = array<i32>} : memref<50x4x128xi32, #tpu.memory_space<vmem>>, vector<16xi32>,
    %add3A_252 = arith.constant 20000 : i32
    %add3A_253 = vector.broadcast %add3A_252 : i32 to vector<16xi32>
    %add3A_254 = arith.addi %mul3A_3, %add3A_253 : vector<16xi32>
    %gather3A_255 = tpu.vector_load_idx %arg5[%add3A_254] : memref<25600xi32, #tpu.memory_space<vmem>>[vector<16xi32>], vector<16xi32>,
    %swap3A_256 = arith.constant 0 : i32
    %swap3A_257 = arith.constant 3 : i32
    %swap3A_258 = arith.index_cast %swap3A_256 : i32 to index
    %swap3A_259 = arith.index_cast %swap3A_257 : i32 to index
    %swap3A_260 = arith.constant 16 : index
    %swap3A_261 = tpu.vector_load %arg6[%swap3A_258, %swap3A_259, %swap3A_260] {strides = array<i32>} : memref<50x4x128xi32, #tpu.memory_space<vmem>>, vector<16xi32>,
    tpu.vector_store %arg6[%swap3A_258, %swap3A_259, %swap3A_260], %gather3A_255 {strides = array<i32>} : memref<50x4x128xi32, #tpu.memory_space<vmem>>, vector<16xi32>,
    %add3A_262 = arith.constant 20800 : i32
    %add3A_263 = vector.broadcast %add3A_262 : i32 to vector<16xi32>
    %add3A_264 = arith.addi %mul3A_3, %add3A_263 : vector<16xi32>
    %gather3A_265 = tpu.vector_load_idx %arg5[%add3A_264] : memref<25600xi32, #tpu.memory_space<vmem>>[vector<16xi32>], vector<16xi32>,
    %swap3A_266 = arith.constant 0 : i32
    %swap3A_267 = arith.constant 3 : i32
    %swap3A_268 = arith.index_cast %swap3A_266 : i32 to index
    %swap3A_269 = arith.index_cast %swap3A_267 : i32 to index
    %swap3A_270 = arith.constant 32 : index
    %swap3A_271 = tpu.vector_load %arg6[%swap3A_268, %swap3A_269, %swap3A_270] {strides = array<i32>} : memref<50x4x128xi32, #tpu.memory_space<vmem>>, vector<16xi32>,
    tpu.vector_store %arg6[%swap3A_268, %swap3A_269, %swap3A_270], %gather3A_265 {strides = array<i32>} : memref<50x4x128xi32, #tpu.memory_space<vmem>>, vector<16xi32>,
    %add3A_272 = arith.constant 21600 : i32
    %add3A_273 = vector.broadcast %add3A_272 : i32 to vector<16xi32>
    %add3A_274 = arith.addi %mul3A_3, %add3A_273 : vector<16xi32>
    %gather3A_275 = tpu.vector_load_idx %arg5[%add3A_274] : memref<25600xi32, #tpu.memory_space<vmem>>[vector<16xi32>], vector<16xi32>,
    %swap3A_276 = arith.constant 0 : i32
    %swap3A_277 = arith.constant 3 : i32
    %swap3A_278 = arith.index_cast %swap3A_276 : i32 to index
    %swap3A_279 = arith.index_cast %swap3A_277 : i32 to index
    %swap3A_280 = arith.constant 48 : index
    %swap3A_281 = tpu.vector_load %arg6[%swap3A_278, %swap3A_279, %swap3A_280] {strides = array<i32>} : memref<50x4x128xi32, #tpu.memory_space<vmem>>, vector<16xi32>,
    tpu.vector_store %arg6[%swap3A_278, %swap3A_279, %swap3A_280], %gather3A_275 {strides = array<i32>} : memref<50x4x128xi32, #tpu.memory_space<vmem>>, vector<16xi32>,
    %add3A_282 = arith.constant 22400 : i32
    %add3A_283 = vector.broadcast %add3A_282 : i32 to vector<16xi32>
    %add3A_284 = arith.addi %mul3A_3, %add3A_283 : vector<16xi32>
    %gather3A_285 = tpu.vector_load_idx %arg5[%add3A_284] : memref<25600xi32, #tpu.memory_space<vmem>>[vector<16xi32>], vector<16xi32>,
    %swap3A_286 = arith.constant 0 : i32
    %swap3A_287 = arith.constant 3 : i32
    %swap3A_288 = arith.index_cast %swap3A_286 : i32 to index
    %swap3A_289 = arith.index_cast %swap3A_287 : i32 to index
    %swap3A_290 = arith.constant 64 : index
    %swap3A_291 = tpu.vector_load %arg6[%swap3A_288, %swap3A_289, %swap3A_290] {strides = array<i32>} : memref<50x4x128xi32, #tpu.memory_space<vmem>>, vector<16xi32>,
    tpu.vector_store %arg6[%swap3A_288, %swap3A_289, %swap3A_290], %gather3A_285 {strides = array<i32>} : memref<50x4x128xi32, #tpu.memory_space<vmem>>, vector<16xi32>,
    %add3A_292 = arith.constant 23200 : i32
    %add3A_293 = vector.broadcast %add3A_292 : i32 to vector<16xi32>
    %add3A_294 = arith.addi %mul3A_3, %add3A_293 : vector<16xi32>
    %gather3A_295 = tpu.vector_load_idx %arg5[%add3A_294] : memref<25600xi32, #tpu.memory_space<vmem>>[vector<16xi32>], vector<16xi32>,
    %swap3A_296 = arith.constant 0 : i32
    %swap3A_297 = arith.constant 3 : i32
    %swap3A_298 = arith.index_cast %swap3A_296 : i32 to index
    %swap3A_299 = arith.index_cast %swap3A_297 : i32 to index
    %swap3A_300 = arith.constant 80 : index
    %swap3A_301 = tpu.vector_load %arg6[%swap3A_298, %swap3A_299, %swap3A_300] {strides = array<i32>} : memref<50x4x128xi32, #tpu.memory_space<vmem>>, vector<16xi32>,
    tpu.vector_store %arg6[%swap3A_298, %swap3A_299, %swap3A_300], %gather3A_295 {strides = array<i32>} : memref<50x4x128xi32, #tpu.memory_space<vmem>>, vector<16xi32>,
    %add3A_302 = arith.constant 24000 : i32
    %add3A_303 = vector.broadcast %add3A_302 : i32 to vector<16xi32>
    %add3A_304 = arith.addi %mul3A_3, %add3A_303 : vector<16xi32>
    %gather3A_305 = tpu.vector_load_idx %arg5[%add3A_304] : memref<25600xi32, #tpu.memory_space<vmem>>[vector<16xi32>], vector<16xi32>,
    %swap3A_306 = arith.constant 0 : i32
    %swap3A_307 = arith.constant 3 : i32
    %swap3A_308 = arith.index_cast %swap3A_306 : i32 to index
    %swap3A_309 = arith.index_cast %swap3A_307 : i32 to index
    %swap3A_310 = arith.constant 96 : index
    %swap3A_311 = tpu.vector_load %arg6[%swap3A_308, %swap3A_309, %swap3A_310] {strides = array<i32>} : memref<50x4x128xi32, #tpu.memory_space<vmem>>, vector<16xi32>,
    tpu.vector_store %arg6[%swap3A_308, %swap3A_309, %swap3A_310], %gather3A_305 {strides = array<i32>} : memref<50x4x128xi32, #tpu.memory_space<vmem>>, vector<16xi32>,
    %add3A_312 = arith.constant 24800 : i32
    %add3A_313 = vector.broadcast %add3A_312 : i32 to vector<16xi32>
    %add3A_314 = arith.addi %mul3A_3, %add3A_313 : vector<16xi32>
    %gather3A_315 = tpu.vector_load_idx %arg5[%add3A_314] : memref<25600xi32, #tpu.memory_space<vmem>>[vector<16xi32>], vector<16xi32>,
    %swap3A_316 = arith.constant 0 : i32
    %swap3A_317 = arith.constant 3 : i32
    %swap3A_318 = arith.index_cast %swap3A_316 : i32 to index
    %swap3A_319 = arith.index_cast %swap3A_317 : i32 to index
    %swap3A_320 = arith.constant 112 : index
    %swap3A_321 = tpu.vector_load %arg6[%swap3A_318, %swap3A_319, %swap3A_320] {strides = array<i32>} : memref<50x4x128xi32, #tpu.memory_space<vmem>>, vector<16xi32>,
    tpu.vector_store %arg6[%swap3A_318, %swap3A_319, %swap3A_320], %gather3A_315 {strides = array<i32>} : memref<50x4x128xi32, #tpu.memory_space<vmem>>, vector<16xi32>,
    %dma_start3A = arith.constant 0 : i32
    %dma_start3A_322 = arith.constant 0 : i32
    %dma_start3A_323 = arith.constant 0 : i32
    %dma_start3A_324 = arith.constant 0 : i32
    %dma_start3A_325 = tpu.memref_slice %arg7[%dma_start3A_323, %dma_start3A_324] : memref<512x64xf32, #tpu.memory_space<vmem>> -> memref<128x64xf32, #tpu.memory_space<vmem>>
    %dma_start3A_326 = arith.constant 0 : i32
    %dma_start3A_327 = tpu.memref_slice %arg6[%dma_start3A, %dma_start3A_322, %dma_start3A_326] : memref<50x4x128xi32, #tpu.memory_space<vmem>> -> memref<1x1x128xi32, #tpu.memory_space<vmem>>
    %dma_start3A_328 = tpu.memref_squeeze %dma_start3A_327 : memref<1x1x128xi32, #tpu.memory_space<vmem>> -> memref<128xi32, #tpu.memory_space<vmem>>
    %dma_start3A_329 = arith.constant 0 : i32
    %dma_start3A_330 = arith.constant 0 : i32
    %dma_start3A_331 = tpu.memref_slice %arg2[%dma_start3A_329, %dma_start3A_330] : memref<1000000x64xf32, #tpu.memory_space<hbm>> -> memref<1000000x64xf32, #tpu.memory_space<hbm>>
    tpu.enqueue_indirect_dma source(%dma_start3A_331 : memref<1000000x64xf32, #tpu.memory_space<hbm>>) target(%dma_start3A_325 : memref<128x64xf32, #tpu.memory_space<vmem>>) offsets(%dma_start3A_328 : memref<128xi32, #tpu.memory_space<vmem>>) semaphore(%arg8 : memref<!tpu.dma_semaphore, #tpu.memory_space<semaphore_mem>>)
    %dma_start3A_332 = arith.constant 0 : i32
    %dma_start3A_333 = arith.constant 1 : i32
    %dma_start3A_334 = arith.constant 128 : i32
    %dma_start3A_335 = arith.constant 0 : i32
    %dma_start3A_336 = tpu.memref_slice %arg7[%dma_start3A_334, %dma_start3A_335] : memref<512x64xf32, #tpu.memory_space<vmem>> -> memref<128x64xf32, #tpu.memory_space<vmem>>
    %dma_start3A_337 = arith.constant 0 : i32
    %dma_start3A_338 = tpu.memref_slice %arg6[%dma_start3A_332, %dma_start3A_333, %dma_start3A_337] : memref<50x4x128xi32, #tpu.memory_space<vmem>> -> memref<1x1x128xi32, #tpu.memory_space<vmem>>
    %dma_start3A_339 = tpu.memref_squeeze %dma_start3A_338 : memref<1x1x128xi32, #tpu.memory_space<vmem>> -> memref<128xi32, #tpu.memory_space<vmem>>
    %dma_start3A_340 = arith.constant 0 : i32
    %dma_start3A_341 = arith.constant 0 : i32
    %dma_start3A_342 = tpu.memref_slice %arg2[%dma_start3A_340, %dma_start3A_341] : memref<1000000x64xf32, #tpu.memory_space<hbm>> -> memref<1000000x64xf32, #tpu.memory_space<hbm>>
    tpu.enqueue_indirect_dma source(%dma_start3A_342 : memref<1000000x64xf32, #tpu.memory_space<hbm>>) target(%dma_start3A_336 : memref<128x64xf32, #tpu.memory_space<vmem>>) offsets(%dma_start3A_339 : memref<128xi32, #tpu.memory_space<vmem>>) semaphore(%arg8 : memref<!tpu.dma_semaphore, #tpu.memory_space<semaphore_mem>>)
    %dma_start3A_343 = arith.constant 0 : i32
    %dma_start3A_344 = arith.constant 2 : i32
    %dma_start3A_345 = arith.constant 256 : i32
    %dma_start3A_346 = arith.constant 0 : i32
    %dma_start3A_347 = tpu.memref_slice %arg7[%dma_start3A_345, %dma_start3A_346] : memref<512x64xf32, #tpu.memory_space<vmem>> -> memref<128x64xf32, #tpu.memory_space<vmem>>
    %dma_start3A_348 = arith.constant 0 : i32
    %dma_start3A_349 = tpu.memref_slice %arg6[%dma_start3A_343, %dma_start3A_344, %dma_start3A_348] : memref<50x4x128xi32, #tpu.memory_space<vmem>> -> memref<1x1x128xi32, #tpu.memory_space<vmem>>
    %dma_start3A_350 = tpu.memref_squeeze %dma_start3A_349 : memref<1x1x128xi32, #tpu.memory_space<vmem>> -> memref<128xi32, #tpu.memory_space<vmem>>
    %dma_start3A_351 = arith.constant 0 : i32
    %dma_start3A_352 = arith.constant 0 : i32
    %dma_start3A_353 = tpu.memref_slice %arg2[%dma_start3A_351, %dma_start3A_352] : memref<1000000x64xf32, #tpu.memory_space<hbm>> -> memref<1000000x64xf32, #tpu.memory_space<hbm>>
    tpu.enqueue_indirect_dma source(%dma_start3A_353 : memref<1000000x64xf32, #tpu.memory_space<hbm>>) target(%dma_start3A_347 : memref<128x64xf32, #tpu.memory_space<vmem>>) offsets(%dma_start3A_350 : memref<128xi32, #tpu.memory_space<vmem>>) semaphore(%arg8 : memref<!tpu.dma_semaphore, #tpu.memory_space<semaphore_mem>>)
    %dma_start3A_354 = arith.constant 0 : i32
    %dma_start3A_355 = arith.constant 3 : i32
    %dma_start3A_356 = arith.constant 384 : i32
    %dma_start3A_357 = arith.constant 0 : i32
    %dma_start3A_358 = tpu.memref_slice %arg7[%dma_start3A_356, %dma_start3A_357] : memref<512x64xf32, #tpu.memory_space<vmem>> -> memref<128x64xf32, #tpu.memory_space<vmem>>
    %dma_start3A_359 = arith.constant 0 : i32
    %dma_start3A_360 = tpu.memref_slice %arg6[%dma_start3A_354, %dma_start3A_355, %dma_start3A_359] : memref<50x4x128xi32, #tpu.memory_space<vmem>> -> memref<1x1x128xi32, #tpu.memory_space<vmem>>
    %dma_start3A_361 = tpu.memref_squeeze %dma_start3A_360 : memref<1x1x128xi32, #tpu.memory_space<vmem>> -> memref<128xi32, #tpu.memory_space<vmem>>
    %dma_start3A_362 = arith.constant 0 : i32
    %dma_start3A_363 = arith.constant 0 : i32
    %dma_start3A_364 = tpu.memref_slice %arg2[%dma_start3A_362, %dma_start3A_363] : memref<1000000x64xf32, #tpu.memory_space<hbm>> -> memref<1000000x64xf32, #tpu.memory_space<hbm>>
    tpu.enqueue_indirect_dma source(%dma_start3A_364 : memref<1000000x64xf32, #tpu.memory_space<hbm>>) target(%dma_start3A_358 : memref<128x64xf32, #tpu.memory_space<vmem>>) offsets(%dma_start3A_361 : memref<128xi32, #tpu.memory_space<vmem>>) semaphore(%arg8 : memref<!tpu.dma_semaphore, #tpu.memory_space<semaphore_mem>>)
    %dma_wait3A = arith.constant 0 : i32
    %dma_wait3A_365 = arith.constant 0 : i32
    %dma_wait3A_366 = arith.constant 0 : i32
    %dma_wait3A_367 = arith.constant 0 : i32
    %dma_wait3A_368 = tpu.memref_slice %arg7[%dma_wait3A_366, %dma_wait3A_367] : memref<512x64xf32, #tpu.memory_space<vmem>> -> memref<128x64xf32, #tpu.memory_space<vmem>>
    %dma_wait3A_369 = arith.constant 0 : i32
    %dma_wait3A_370 = tpu.memref_slice %arg6[%dma_wait3A, %dma_wait3A_365, %dma_wait3A_369] : memref<50x4x128xi32, #tpu.memory_space<vmem>> -> memref<1x1x128xi32, #tpu.memory_space<vmem>>
    %dma_wait3A_371 = tpu.memref_squeeze %dma_wait3A_370 : memref<1x1x128xi32, #tpu.memory_space<vmem>> -> memref<128xi32, #tpu.memory_space<vmem>>
    %dma_wait3A_372 = arith.constant 0 : i32
    %dma_wait3A_373 = arith.constant 0 : i32
    %dma_wait3A_374 = tpu.memref_slice %arg2[%dma_wait3A_372, %dma_wait3A_373] : memref<1000000x64xf32, #tpu.memory_space<hbm>> -> memref<1000000x64xf32, #tpu.memory_space<hbm>>
    tpu.wait_indirect_dma semaphore(%arg8 : memref<!tpu.dma_semaphore, #tpu.memory_space<semaphore_mem>>) src(%dma_wait3A_374 : memref<1000000x64xf32, #tpu.memory_space<hbm>>) dst(%dma_wait3A_368 : memref<128x64xf32, #tpu.memory_space<vmem>>)
    %dma_wait3A_375 = arith.constant 0 : i32
    %dma_wait3A_376 = arith.constant 1 : i32
    %dma_wait3A_377 = arith.constant 128 : i32
    %dma_wait3A_378 = arith.constant 0 : i32
    %dma_wait3A_379 = tpu.memref_slice %arg7[%dma_wait3A_377, %dma_wait3A_378] : memref<512x64xf32, #tpu.memory_space<vmem>> -> memref<128x64xf32, #tpu.memory_space<vmem>>
    %dma_wait3A_380 = arith.constant 0 : i32
    %dma_wait3A_381 = tpu.memref_slice %arg6[%dma_wait3A_375, %dma_wait3A_376, %dma_wait3A_380] : memref<50x4x128xi32, #tpu.memory_space<vmem>> -> memref<1x1x128xi32, #tpu.memory_space<vmem>>
    %dma_wait3A_382 = tpu.memref_squeeze %dma_wait3A_381 : memref<1x1x128xi32, #tpu.memory_space<vmem>> -> memref<128xi32, #tpu.memory_space<vmem>>
    %dma_wait3A_383 = arith.constant 0 : i32
    %dma_wait3A_384 = arith.constant 0 : i32
    %dma_wait3A_385 = tpu.memref_slice %arg2[%dma_wait3A_383, %dma_wait3A_384] : memref<1000000x64xf32, #tpu.memory_space<hbm>> -> memref<1000000x64xf32, #tpu.memory_space<hbm>>
    tpu.wait_indirect_dma semaphore(%arg8 : memref<!tpu.dma_semaphore, #tpu.memory_space<semaphore_mem>>) src(%dma_wait3A_385 : memref<1000000x64xf32, #tpu.memory_space<hbm>>) dst(%dma_wait3A_379 : memref<128x64xf32, #tpu.memory_space<vmem>>)
    %dma_wait3A_386 = arith.constant 0 : i32
    %dma_wait3A_387 = arith.constant 2 : i32
    %dma_wait3A_388 = arith.constant 256 : i32
    %dma_wait3A_389 = arith.constant 0 : i32
    %dma_wait3A_390 = tpu.memref_slice %arg7[%dma_wait3A_388, %dma_wait3A_389] : memref<512x64xf32, #tpu.memory_space<vmem>> -> memref<128x64xf32, #tpu.memory_space<vmem>>
    %dma_wait3A_391 = arith.constant 0 : i32
    %dma_wait3A_392 = tpu.memref_slice %arg6[%dma_wait3A_386, %dma_wait3A_387, %dma_wait3A_391] : memref<50x4x128xi32, #tpu.memory_space<vmem>> -> memref<1x1x128xi32, #tpu.memory_space<vmem>>
    %dma_wait3A_393 = tpu.memref_squeeze %dma_wait3A_392 : memref<1x1x128xi32, #tpu.memory_space<vmem>> -> memref<128xi32, #tpu.memory_space<vmem>>
    %dma_wait3A_394 = arith.constant 0 : i32
    %dma_wait3A_395 = arith.constant 0 : i32
    %dma_wait3A_396 = tpu.memref_slice %arg2[%dma_wait3A_394, %dma_wait3A_395] : memref<1000000x64xf32, #tpu.memory_space<hbm>> -> memref<1000000x64xf32, #tpu.memory_space<hbm>>
    tpu.wait_indirect_dma semaphore(%arg8 : memref<!tpu.dma_semaphore, #tpu.memory_space<semaphore_mem>>) src(%dma_wait3A_396 : memref<1000000x64xf32, #tpu.memory_space<hbm>>) dst(%dma_wait3A_390 : memref<128x64xf32, #tpu.memory_space<vmem>>)
    %dma_wait3A_397 = arith.constant 0 : i32
    %dma_wait3A_398 = arith.constant 3 : i32
    %dma_wait3A_399 = arith.constant 384 : i32
    %dma_wait3A_400 = arith.constant 0 : i32
    %dma_wait3A_401 = tpu.memref_slice %arg7[%dma_wait3A_399, %dma_wait3A_400] : memref<512x64xf32, #tpu.memory_space<vmem>> -> memref<128x64xf32, #tpu.memory_space<vmem>>
    %dma_wait3A_402 = arith.constant 0 : i32
    %dma_wait3A_403 = tpu.memref_slice %arg6[%dma_wait3A_397, %dma_wait3A_398, %dma_wait3A_402] : memref<50x4x128xi32, #tpu.memory_space<vmem>> -> memref<1x1x128xi32, #tpu.memory_space<vmem>>
    %dma_wait3A_404 = tpu.memref_squeeze %dma_wait3A_403 : memref<1x1x128xi32, #tpu.memory_space<vmem>> -> memref<128xi32, #tpu.memory_space<vmem>>
    %dma_wait3A_405 = arith.constant 0 : i32
    %dma_wait3A_406 = arith.constant 0 : i32
    %dma_wait3A_407 = tpu.memref_slice %arg2[%dma_wait3A_405, %dma_wait3A_406] : memref<1000000x64xf32, #tpu.memory_space<hbm>> -> memref<1000000x64xf32, #tpu.memory_space<hbm>>
    tpu.wait_indirect_dma semaphore(%arg8 : memref<!tpu.dma_semaphore, #tpu.memory_space<semaphore_mem>>) src(%dma_wait3A_407 : memref<1000000x64xf32, #tpu.memory_space<hbm>>) dst(%dma_wait3A_401 : memref<128x64xf32, #tpu.memory_space<vmem>>)
    %scan3A = arith.constant 0 : i32
    %scan3A_408 = arith.constant 49 : i32
    %scan3A_409 = arith.addi %scan3A, %scan3A_408 : i32
    %scan3A_410 = arith.constant 1 : i32
    scf.for %scan3A_419 = %scan3A to %scan3A_409 step %scan3A_410  : i32 {
      %mul3A_420 = arith.constant 1 : i32
      %mul3A_421 = arith.muli %scan3A_419, %mul3A_420 : i32
      %add3A_422 = arith.constant 1 : i32
      %add3A_423 = arith.addi %add3A_422, %mul3A_421 : i32
      %add3A_424 = arith.constant 0 : i32
      %add3A_425 = arith.addi %add3A_424, %add3A_423 : i32
      %add3A_426 = vector.broadcast %add3A_425 : i32 to vector<16xi32>
      %add3A_427 = arith.addi %mul3A_3, %add3A_426 : vector<16xi32>
      %gather3A_428 = tpu.vector_load_idx %arg5[%add3A_427] : memref<25600xi32, #tpu.memory_space<vmem>>[vector<16xi32>], vector<16xi32>,
      %swap3A_429 = arith.constant 0 : i32
      %swap3A_430 = arith.index_cast %add3A_423 : i32 to index
      %swap3A_431 = arith.index_cast %swap3A_429 : i32 to index
      %swap3A_432 = arith.constant 0 : index
      %swap3A_433 = tpu.vector_load %arg6[%swap3A_430, %swap3A_431, %swap3A_432] {strides = array<i32>} : memref<50x4x128xi32, #tpu.memory_space<vmem>>, vector<16xi32>,
      tpu.vector_store %arg6[%swap3A_430, %swap3A_431, %swap3A_432], %gather3A_428 {strides = array<i32>} : memref<50x4x128xi32, #tpu.memory_space<vmem>>, vector<16xi32>,
      %add3A_434 = arith.constant 800 : i32
      %add3A_435 = arith.addi %add3A_434, %add3A_423 : i32
      %add3A_436 = vector.broadcast %add3A_435 : i32 to vector<16xi32>
      %add3A_437 = arith.addi %mul3A_3, %add3A_436 : vector<16xi32>
      %gather3A_438 = tpu.vector_load_idx %arg5[%add3A_437] : memref<25600xi32, #tpu.memory_space<vmem>>[vector<16xi32>], vector<16xi32>,
      %swap3A_439 = arith.constant 0 : i32
      %swap3A_440 = arith.index_cast %add3A_423 : i32 to index
      %swap3A_441 = arith.index_cast %swap3A_439 : i32 to index
      %swap3A_442 = arith.constant 16 : index
      %swap3A_443 = tpu.vector_load %arg6[%swap3A_440, %swap3A_441, %swap3A_442] {strides = array<i32>} : memref<50x4x128xi32, #tpu.memory_space<vmem>>, vector<16xi32>,
      tpu.vector_store %arg6[%swap3A_440, %swap3A_441, %swap3A_442], %gather3A_438 {strides = array<i32>} : memref<50x4x128xi32, #tpu.memory_space<vmem>>, vector<16xi32>,
      %add3A_444 = arith.constant 1600 : i32
      %add3A_445 = arith.addi %add3A_444, %add3A_423 : i32
      %add3A_446 = vector.broadcast %add3A_445 : i32 to vector<16xi32>
      %add3A_447 = arith.addi %mul3A_3, %add3A_446 : vector<16xi32>
      %gather3A_448 = tpu.vector_load_idx %arg5[%add3A_447] : memref<25600xi32, #tpu.memory_space<vmem>>[vector<16xi32>], vector<16xi32>,
      %swap3A_449 = arith.constant 0 : i32
      %swap3A_450 = arith.index_cast %add3A_423 : i32 to index
      %swap3A_451 = arith.index_cast %swap3A_449 : i32 to index
      %swap3A_452 = arith.constant 32 : index
      %swap3A_453 = tpu.vector_load %arg6[%swap3A_450, %swap3A_451, %swap3A_452] {strides = array<i32>} : memref<50x4x128xi32, #tpu.memory_space<vmem>>, vector<16xi32>,
      tpu.vector_store %arg6[%swap3A_450, %swap3A_451, %swap3A_452], %gather3A_448 {strides = array<i32>} : memref<50x4x128xi32, #tpu.memory_space<vmem>>, vector<16xi32>,
      %add3A_454 = arith.constant 2400 : i32
      %add3A_455 = arith.addi %add3A_454, %add3A_423 : i32
      %add3A_456 = vector.broadcast %add3A_455 : i32 to vector<16xi32>
      %add3A_457 = arith.addi %mul3A_3, %add3A_456 : vector<16xi32>
      %gather3A_458 = tpu.vector_load_idx %arg5[%add3A_457] : memref<25600xi32, #tpu.memory_space<vmem>>[vector<16xi32>], vector<16xi32>,
      %swap3A_459 = arith.constant 0 : i32
      %swap3A_460 = arith.index_cast %add3A_423 : i32 to index
      %swap3A_461 = arith.index_cast %swap3A_459 : i32 to index
      %swap3A_462 = arith.constant 48 : index
      %swap3A_463 = tpu.vector_load %arg6[%swap3A_460, %swap3A_461, %swap3A_462] {strides = array<i32>} : memref<50x4x128xi32, #tpu.memory_space<vmem>>, vector<16xi32>,
      tpu.vector_store %arg6[%swap3A_460, %swap3A_461, %swap3A_462], %gather3A_458 {strides = array<i32>} : memref<50x4x128xi32, #tpu.memory_space<vmem>>, vector<16xi32>,
      %add3A_464 = arith.constant 3200 : i32
      %add3A_465 = arith.addi %add3A_464, %add3A_423 : i32
      %add3A_466 = vector.broadcast %add3A_465 : i32 to vector<16xi32>
      %add3A_467 = arith.addi %mul3A_3, %add3A_466 : vector<16xi32>
      %gather3A_468 = tpu.vector_load_idx %arg5[%add3A_467] : memref<25600xi32, #tpu.memory_space<vmem>>[vector<16xi32>], vector<16xi32>,
      %swap3A_469 = arith.constant 0 : i32
      %swap3A_470 = arith.index_cast %add3A_423 : i32 to index
      %swap3A_471 = arith.index_cast %swap3A_469 : i32 to index
      %swap3A_472 = arith.constant 64 : index
      %swap3A_473 = tpu.vector_load %arg6[%swap3A_470, %swap3A_471, %swap3A_472] {strides = array<i32>} : memref<50x4x128xi32, #tpu.memory_space<vmem>>, vector<16xi32>,
      tpu.vector_store %arg6[%swap3A_470, %swap3A_471, %swap3A_472], %gather3A_468 {strides = array<i32>} : memref<50x4x128xi32, #tpu.memory_space<vmem>>, vector<16xi32>,
      %add3A_474 = arith.constant 4000 : i32
      %add3A_475 = arith.addi %add3A_474, %add3A_423 : i32
      %add3A_476 = vector.broadcast %add3A_475 : i32 to vector<16xi32>
      %add3A_477 = arith.addi %mul3A_3, %add3A_476 : vector<16xi32>
      %gather3A_478 = tpu.vector_load_idx %arg5[%add3A_477] : memref<25600xi32, #tpu.memory_space<vmem>>[vector<16xi32>], vector<16xi32>,
      %swap3A_479 = arith.constant 0 : i32
      %swap3A_480 = arith.index_cast %add3A_423 : i32 to index
      %swap3A_481 = arith.index_cast %swap3A_479 : i32 to index
      %swap3A_482 = arith.constant 80 : index
      %swap3A_483 = tpu.vector_load %arg6[%swap3A_480, %swap3A_481, %swap3A_482] {strides = array<i32>} : memref<50x4x128xi32, #tpu.memory_space<vmem>>, vector<16xi32>,
      tpu.vector_store %arg6[%swap3A_480, %swap3A_481, %swap3A_482], %gather3A_478 {strides = array<i32>} : memref<50x4x128xi32, #tpu.memory_space<vmem>>, vector<16xi32>,
      %add3A_484 = arith.constant 4800 : i32
      %add3A_485 = arith.addi %add3A_484, %add3A_423 : i32
      %add3A_486 = vector.broadcast %add3A_485 : i32 to vector<16xi32>
      %add3A_487 = arith.addi %mul3A_3, %add3A_486 : vector<16xi32>
      %gather3A_488 = tpu.vector_load_idx %arg5[%add3A_487] : memref<25600xi32, #tpu.memory_space<vmem>>[vector<16xi32>], vector<16xi32>,
      %swap3A_489 = arith.constant 0 : i32
      %swap3A_490 = arith.index_cast %add3A_423 : i32 to index
      %swap3A_491 = arith.index_cast %swap3A_489 : i32 to index
      %swap3A_492 = arith.constant 96 : index
      %swap3A_493 = tpu.vector_load %arg6[%swap3A_490, %swap3A_491, %swap3A_492] {strides = array<i32>} : memref<50x4x128xi32, #tpu.memory_space<vmem>>, vector<16xi32>,
      tpu.vector_store %arg6[%swap3A_490, %swap3A_491, %swap3A_492], %gather3A_488 {strides = array<i32>} : memref<50x4x128xi32, #tpu.memory_space<vmem>>, vector<16xi32>,
      %add3A_494 = arith.constant 5600 : i32
      %add3A_495 = arith.addi %add3A_494, %add3A_423 : i32
      %add3A_496 = vector.broadcast %add3A_495 : i32 to vector<16xi32>
      %add3A_497 = arith.addi %mul3A_3, %add3A_496 : vector<16xi32>
      %gather3A_498 = tpu.vector_load_idx %arg5[%add3A_497] : memref<25600xi32, #tpu.memory_space<vmem>>[vector<16xi32>], vector<16xi32>,
      %swap3A_499 = arith.constant 0 : i32
      %swap3A_500 = arith.index_cast %add3A_423 : i32 to index
      %swap3A_501 = arith.index_cast %swap3A_499 : i32 to index
      %swap3A_502 = arith.constant 112 : index
      %swap3A_503 = tpu.vector_load %arg6[%swap3A_500, %swap3A_501, %swap3A_502] {strides = array<i32>} : memref<50x4x128xi32, #tpu.memory_space<vmem>>, vector<16xi32>,
      tpu.vector_store %arg6[%swap3A_500, %swap3A_501, %swap3A_502], %gather3A_498 {strides = array<i32>} : memref<50x4x128xi32, #tpu.memory_space<vmem>>, vector<16xi32>,
      %add3A_504 = arith.constant 6400 : i32
      %add3A_505 = arith.addi %add3A_504, %add3A_423 : i32
      %add3A_506 = vector.broadcast %add3A_505 : i32 to vector<16xi32>
      %add3A_507 = arith.addi %mul3A_3, %add3A_506 : vector<16xi32>
      %gather3A_508 = tpu.vector_load_idx %arg5[%add3A_507] : memref<25600xi32, #tpu.memory_space<vmem>>[vector<16xi32>], vector<16xi32>,
      %swap3A_509 = arith.constant 1 : i32
      %swap3A_510 = arith.index_cast %add3A_423 : i32 to index
      %swap3A_511 = arith.index_cast %swap3A_509 : i32 to index
      %swap3A_512 = arith.constant 0 : index
      %swap3A_513 = tpu.vector_load %arg6[%swap3A_510, %swap3A_511, %swap3A_512] {strides = array<i32>} : memref<50x4x128xi32, #tpu.memory_space<vmem>>, vector<16xi32>,
      tpu.vector_store %arg6[%swap3A_510, %swap3A_511, %swap3A_512], %gather3A_508 {strides = array<i32>} : memref<50x4x128xi32, #tpu.memory_space<vmem>>, vector<16xi32>,
      %add3A_514 = arith.constant 7200 : i32
      %add3A_515 = arith.addi %add3A_514, %add3A_423 : i32
      %add3A_516 = vector.broadcast %add3A_515 : i32 to vector<16xi32>
      %add3A_517 = arith.addi %mul3A_3, %add3A_516 : vector<16xi32>
      %gather3A_518 = tpu.vector_load_idx %arg5[%add3A_517] : memref<25600xi32, #tpu.memory_space<vmem>>[vector<16xi32>], vector<16xi32>,
      %swap3A_519 = arith.constant 1 : i32
      %swap3A_520 = arith.index_cast %add3A_423 : i32 to index
      %swap3A_521 = arith.index_cast %swap3A_519 : i32 to index
      %swap3A_522 = arith.constant 16 : index
      %swap3A_523 = tpu.vector_load %arg6[%swap3A_520, %swap3A_521, %swap3A_522] {strides = array<i32>} : memref<50x4x128xi32, #tpu.memory_space<vmem>>, vector<16xi32>,
      tpu.vector_store %arg6[%swap3A_520, %swap3A_521, %swap3A_522], %gather3A_518 {strides = array<i32>} : memref<50x4x128xi32, #tpu.memory_space<vmem>>, vector<16xi32>,
      %add3A_524 = arith.constant 8000 : i32
      %add3A_525 = arith.addi %add3A_524, %add3A_423 : i32
      %add3A_526 = vector.broadcast %add3A_525 : i32 to vector<16xi32>
      %add3A_527 = arith.addi %mul3A_3, %add3A_526 : vector<16xi32>
      %gather3A_528 = tpu.vector_load_idx %arg5[%add3A_527] : memref<25600xi32, #tpu.memory_space<vmem>>[vector<16xi32>], vector<16xi32>,
      %swap3A_529 = arith.constant 1 : i32
      %swap3A_530 = arith.index_cast %add3A_423 : i32 to index
      %swap3A_531 = arith.index_cast %swap3A_529 : i32 to index
      %swap3A_532 = arith.constant 32 : index
      %swap3A_533 = tpu.vector_load %arg6[%swap3A_530, %swap3A_531, %swap3A_532] {strides = array<i32>} : memref<50x4x128xi32, #tpu.memory_space<vmem>>, vector<16xi32>,
      tpu.vector_store %arg6[%swap3A_530, %swap3A_531, %swap3A_532], %gather3A_528 {strides = array<i32>} : memref<50x4x128xi32, #tpu.memory_space<vmem>>, vector<16xi32>,
      %add3A_534 = arith.constant 8800 : i32
      %add3A_535 = arith.addi %add3A_534, %add3A_423 : i32
      %add3A_536 = vector.broadcast %add3A_535 : i32 to vector<16xi32>
      %add3A_537 = arith.addi %mul3A_3, %add3A_536 : vector<16xi32>
      %gather3A_538 = tpu.vector_load_idx %arg5[%add3A_537] : memref<25600xi32, #tpu.memory_space<vmem>>[vector<16xi32>], vector<16xi32>,
      %swap3A_539 = arith.constant 1 : i32
      %swap3A_540 = arith.index_cast %add3A_423 : i32 to index
      %swap3A_541 = arith.index_cast %swap3A_539 : i32 to index
      %swap3A_542 = arith.constant 48 : index
      %swap3A_543 = tpu.vector_load %arg6[%swap3A_540, %swap3A_541, %swap3A_542] {strides = array<i32>} : memref<50x4x128xi32, #tpu.memory_space<vmem>>, vector<16xi32>,
      tpu.vector_store %arg6[%swap3A_540, %swap3A_541, %swap3A_542], %gather3A_538 {strides = array<i32>} : memref<50x4x128xi32, #tpu.memory_space<vmem>>, vector<16xi32>,
      %add3A_544 = arith.constant 9600 : i32
      %add3A_545 = arith.addi %add3A_544, %add3A_423 : i32
      %add3A_546 = vector.broadcast %add3A_545 : i32 to vector<16xi32>
      %add3A_547 = arith.addi %mul3A_3, %add3A_546 : vector<16xi32>
      %gather3A_548 = tpu.vector_load_idx %arg5[%add3A_547] : memref<25600xi32, #tpu.memory_space<vmem>>[vector<16xi32>], vector<16xi32>,
      %swap3A_549 = arith.constant 1 : i32
      %swap3A_550 = arith.index_cast %add3A_423 : i32 to index
      %swap3A_551 = arith.index_cast %swap3A_549 : i32 to index
      %swap3A_552 = arith.constant 64 : index
      %swap3A_553 = tpu.vector_load %arg6[%swap3A_550, %swap3A_551, %swap3A_552] {strides = array<i32>} : memref<50x4x128xi32, #tpu.memory_space<vmem>>, vector<16xi32>,
      tpu.vector_store %arg6[%swap3A_550, %swap3A_551, %swap3A_552], %gather3A_548 {strides = array<i32>} : memref<50x4x128xi32, #tpu.memory_space<vmem>>, vector<16xi32>,
      %add3A_554 = arith.constant 10400 : i32
      %add3A_555 = arith.addi %add3A_554, %add3A_423 : i32
      %add3A_556 = vector.broadcast %add3A_555 : i32 to vector<16xi32>
      %add3A_557 = arith.addi %mul3A_3, %add3A_556 : vector<16xi32>
      %gather3A_558 = tpu.vector_load_idx %arg5[%add3A_557] : memref<25600xi32, #tpu.memory_space<vmem>>[vector<16xi32>], vector<16xi32>,
      %swap3A_559 = arith.constant 1 : i32
      %swap3A_560 = arith.index_cast %add3A_423 : i32 to index
      %swap3A_561 = arith.index_cast %swap3A_559 : i32 to index
      %swap3A_562 = arith.constant 80 : index
      %swap3A_563 = tpu.vector_load %arg6[%swap3A_560, %swap3A_561, %swap3A_562] {strides = array<i32>} : memref<50x4x128xi32, #tpu.memory_space<vmem>>, vector<16xi32>,
      tpu.vector_store %arg6[%swap3A_560, %swap3A_561, %swap3A_562], %gather3A_558 {strides = array<i32>} : memref<50x4x128xi32, #tpu.memory_space<vmem>>, vector<16xi32>,
      %add3A_564 = arith.constant 11200 : i32
      %add3A_565 = arith.addi %add3A_564, %add3A_423 : i32
      %add3A_566 = vector.broadcast %add3A_565 : i32 to vector<16xi32>
      %add3A_567 = arith.addi %mul3A_3, %add3A_566 : vector<16xi32>
      %gather3A_568 = tpu.vector_load_idx %arg5[%add3A_567] : memref<25600xi32, #tpu.memory_space<vmem>>[vector<16xi32>], vector<16xi32>,
      %swap3A_569 = arith.constant 1 : i32
      %swap3A_570 = arith.index_cast %add3A_423 : i32 to index
      %swap3A_571 = arith.index_cast %swap3A_569 : i32 to index
      %swap3A_572 = arith.constant 96 : index
      %swap3A_573 = tpu.vector_load %arg6[%swap3A_570, %swap3A_571, %swap3A_572] {strides = array<i32>} : memref<50x4x128xi32, #tpu.memory_space<vmem>>, vector<16xi32>,
      tpu.vector_store %arg6[%swap3A_570, %swap3A_571, %swap3A_572], %gather3A_568 {strides = array<i32>} : memref<50x4x128xi32, #tpu.memory_space<vmem>>, vector<16xi32>,
      %add3A_574 = arith.constant 12000 : i32
      %add3A_575 = arith.addi %add3A_574, %add3A_423 : i32
      %add3A_576 = vector.broadcast %add3A_575 : i32 to vector<16xi32>
      %add3A_577 = arith.addi %mul3A_3, %add3A_576 : vector<16xi32>
      %gather3A_578 = tpu.vector_load_idx %arg5[%add3A_577] : memref<25600xi32, #tpu.memory_space<vmem>>[vector<16xi32>], vector<16xi32>,
      %swap3A_579 = arith.constant 1 : i32
      %swap3A_580 = arith.index_cast %add3A_423 : i32 to index
      %swap3A_581 = arith.index_cast %swap3A_579 : i32 to index
      %swap3A_582 = arith.constant 112 : index
      %swap3A_583 = tpu.vector_load %arg6[%swap3A_580, %swap3A_581, %swap3A_582] {strides = array<i32>} : memref<50x4x128xi32, #tpu.memory_space<vmem>>, vector<16xi32>,
      tpu.vector_store %arg6[%swap3A_580, %swap3A_581, %swap3A_582], %gather3A_578 {strides = array<i32>} : memref<50x4x128xi32, #tpu.memory_space<vmem>>, vector<16xi32>,
      %add3A_584 = arith.constant 12800 : i32
      %add3A_585 = arith.addi %add3A_584, %add3A_423 : i32
      %add3A_586 = vector.broadcast %add3A_585 : i32 to vector<16xi32>
      %add3A_587 = arith.addi %mul3A_3, %add3A_586 : vector<16xi32>
      %gather3A_588 = tpu.vector_load_idx %arg5[%add3A_587] : memref<25600xi32, #tpu.memory_space<vmem>>[vector<16xi32>], vector<16xi32>,
      %swap3A_589 = arith.constant 2 : i32
      %swap3A_590 = arith.index_cast %add3A_423 : i32 to index
      %swap3A_591 = arith.index_cast %swap3A_589 : i32 to index
      %swap3A_592 = arith.constant 0 : index
      %swap3A_593 = tpu.vector_load %arg6[%swap3A_590, %swap3A_591, %swap3A_592] {strides = array<i32>} : memref<50x4x128xi32, #tpu.memory_space<vmem>>, vector<16xi32>,
      tpu.vector_store %arg6[%swap3A_590, %swap3A_591, %swap3A_592], %gather3A_588 {strides = array<i32>} : memref<50x4x128xi32, #tpu.memory_space<vmem>>, vector<16xi32>,
      %add3A_594 = arith.constant 13600 : i32
      %add3A_595 = arith.addi %add3A_594, %add3A_423 : i32
      %add3A_596 = vector.broadcast %add3A_595 : i32 to vector<16xi32>
      %add3A_597 = arith.addi %mul3A_3, %add3A_596 : vector<16xi32>
      %gather3A_598 = tpu.vector_load_idx %arg5[%add3A_597] : memref<25600xi32, #tpu.memory_space<vmem>>[vector<16xi32>], vector<16xi32>,
      %swap3A_599 = arith.constant 2 : i32
      %swap3A_600 = arith.index_cast %add3A_423 : i32 to index
      %swap3A_601 = arith.index_cast %swap3A_599 : i32 to index
      %swap3A_602 = arith.constant 16 : index
      %swap3A_603 = tpu.vector_load %arg6[%swap3A_600, %swap3A_601, %swap3A_602] {strides = array<i32>} : memref<50x4x128xi32, #tpu.memory_space<vmem>>, vector<16xi32>,
      tpu.vector_store %arg6[%swap3A_600, %swap3A_601, %swap3A_602], %gather3A_598 {strides = array<i32>} : memref<50x4x128xi32, #tpu.memory_space<vmem>>, vector<16xi32>,
      %add3A_604 = arith.constant 14400 : i32
      %add3A_605 = arith.addi %add3A_604, %add3A_423 : i32
      %add3A_606 = vector.broadcast %add3A_605 : i32 to vector<16xi32>
      %add3A_607 = arith.addi %mul3A_3, %add3A_606 : vector<16xi32>
      %gather3A_608 = tpu.vector_load_idx %arg5[%add3A_607] : memref<25600xi32, #tpu.memory_space<vmem>>[vector<16xi32>], vector<16xi32>,
      %swap3A_609 = arith.constant 2 : i32
      %swap3A_610 = arith.index_cast %add3A_423 : i32 to index
      %swap3A_611 = arith.index_cast %swap3A_609 : i32 to index
      %swap3A_612 = arith.constant 32 : index
      %swap3A_613 = tpu.vector_load %arg6[%swap3A_610, %swap3A_611, %swap3A_612] {strides = array<i32>} : memref<50x4x128xi32, #tpu.memory_space<vmem>>, vector<16xi32>,
      tpu.vector_store %arg6[%swap3A_610, %swap3A_611, %swap3A_612], %gather3A_608 {strides = array<i32>} : memref<50x4x128xi32, #tpu.memory_space<vmem>>, vector<16xi32>,
      %add3A_614 = arith.constant 15200 : i32
      %add3A_615 = arith.addi %add3A_614, %add3A_423 : i32
      %add3A_616 = vector.broadcast %add3A_615 : i32 to vector<16xi32>
      %add3A_617 = arith.addi %mul3A_3, %add3A_616 : vector<16xi32>
      %gather3A_618 = tpu.vector_load_idx %arg5[%add3A_617] : memref<25600xi32, #tpu.memory_space<vmem>>[vector<16xi32>], vector<16xi32>,
      %swap3A_619 = arith.constant 2 : i32
      %swap3A_620 = arith.index_cast %add3A_423 : i32 to index
      %swap3A_621 = arith.index_cast %swap3A_619 : i32 to index
      %swap3A_622 = arith.constant 48 : index
      %swap3A_623 = tpu.vector_load %arg6[%swap3A_620, %swap3A_621, %swap3A_622] {strides = array<i32>} : memref<50x4x128xi32, #tpu.memory_space<vmem>>, vector<16xi32>,
      tpu.vector_store %arg6[%swap3A_620, %swap3A_621, %swap3A_622], %gather3A_618 {strides = array<i32>} : memref<50x4x128xi32, #tpu.memory_space<vmem>>, vector<16xi32>,
      %add3A_624 = arith.constant 16000 : i32
      %add3A_625 = arith.addi %add3A_624, %add3A_423 : i32
      %add3A_626 = vector.broadcast %add3A_625 : i32 to vector<16xi32>
      %add3A_627 = arith.addi %mul3A_3, %add3A_626 : vector<16xi32>
      %gather3A_628 = tpu.vector_load_idx %arg5[%add3A_627] : memref<25600xi32, #tpu.memory_space<vmem>>[vector<16xi32>], vector<16xi32>,
      %swap3A_629 = arith.constant 2 : i32
      %swap3A_630 = arith.index_cast %add3A_423 : i32 to index
      %swap3A_631 = arith.index_cast %swap3A_629 : i32 to index
      %swap3A_632 = arith.constant 64 : index
      %swap3A_633 = tpu.vector_load %arg6[%swap3A_630, %swap3A_631, %swap3A_632] {strides = array<i32>} : memref<50x4x128xi32, #tpu.memory_space<vmem>>, vector<16xi32>,
      tpu.vector_store %arg6[%swap3A_630, %swap3A_631, %swap3A_632], %gather3A_628 {strides = array<i32>} : memref<50x4x128xi32, #tpu.memory_space<vmem>>, vector<16xi32>,
      %add3A_634 = arith.constant 16800 : i32
      %add3A_635 = arith.addi %add3A_634, %add3A_423 : i32
      %add3A_636 = vector.broadcast %add3A_635 : i32 to vector<16xi32>
      %add3A_637 = arith.addi %mul3A_3, %add3A_636 : vector<16xi32>
      %gather3A_638 = tpu.vector_load_idx %arg5[%add3A_637] : memref<25600xi32, #tpu.memory_space<vmem>>[vector<16xi32>], vector<16xi32>,
      %swap3A_639 = arith.constant 2 : i32
      %swap3A_640 = arith.index_cast %add3A_423 : i32 to index
      %swap3A_641 = arith.index_cast %swap3A_639 : i32 to index
      %swap3A_642 = arith.constant 80 : index
      %swap3A_643 = tpu.vector_load %arg6[%swap3A_640, %swap3A_641, %swap3A_642] {strides = array<i32>} : memref<50x4x128xi32, #tpu.memory_space<vmem>>, vector<16xi32>,
      tpu.vector_store %arg6[%swap3A_640, %swap3A_641, %swap3A_642], %gather3A_638 {strides = array<i32>} : memref<50x4x128xi32, #tpu.memory_space<vmem>>, vector<16xi32>,
      %add3A_644 = arith.constant 17600 : i32
      %add3A_645 = arith.addi %add3A_644, %add3A_423 : i32
      %add3A_646 = vector.broadcast %add3A_645 : i32 to vector<16xi32>
      %add3A_647 = arith.addi %mul3A_3, %add3A_646 : vector<16xi32>
      %gather3A_648 = tpu.vector_load_idx %arg5[%add3A_647] : memref<25600xi32, #tpu.memory_space<vmem>>[vector<16xi32>], vector<16xi32>,
      %swap3A_649 = arith.constant 2 : i32
      %swap3A_650 = arith.index_cast %add3A_423 : i32 to index
      %swap3A_651 = arith.index_cast %swap3A_649 : i32 to index
      %swap3A_652 = arith.constant 96 : index
      %swap3A_653 = tpu.vector_load %arg6[%swap3A_650, %swap3A_651, %swap3A_652] {strides = array<i32>} : memref<50x4x128xi32, #tpu.memory_space<vmem>>, vector<16xi32>,
      tpu.vector_store %arg6[%swap3A_650, %swap3A_651, %swap3A_652], %gather3A_648 {strides = array<i32>} : memref<50x4x128xi32, #tpu.memory_space<vmem>>, vector<16xi32>,
      %add3A_654 = arith.constant 18400 : i32
      %add3A_655 = arith.addi %add3A_654, %add3A_423 : i32
      %add3A_656 = vector.broadcast %add3A_655 : i32 to vector<16xi32>
      %add3A_657 = arith.addi %mul3A_3, %add3A_656 : vector<16xi32>
      %gather3A_658 = tpu.vector_load_idx %arg5[%add3A_657] : memref<25600xi32, #tpu.memory_space<vmem>>[vector<16xi32>], vector<16xi32>,
      %swap3A_659 = arith.constant 2 : i32
      %swap3A_660 = arith.index_cast %add3A_423 : i32 to index
      %swap3A_661 = arith.index_cast %swap3A_659 : i32 to index
      %swap3A_662 = arith.constant 112 : index
      %swap3A_663 = tpu.vector_load %arg6[%swap3A_660, %swap3A_661, %swap3A_662] {strides = array<i32>} : memref<50x4x128xi32, #tpu.memory_space<vmem>>, vector<16xi32>,
      tpu.vector_store %arg6[%swap3A_660, %swap3A_661, %swap3A_662], %gather3A_658 {strides = array<i32>} : memref<50x4x128xi32, #tpu.memory_space<vmem>>, vector<16xi32>,
      %add3A_664 = arith.constant 19200 : i32
      %add3A_665 = arith.addi %add3A_664, %add3A_423 : i32
      %add3A_666 = vector.broadcast %add3A_665 : i32 to vector<16xi32>
      %add3A_667 = arith.addi %mul3A_3, %add3A_666 : vector<16xi32>
      %gather3A_668 = tpu.vector_load_idx %arg5[%add3A_667] : memref<25600xi32, #tpu.memory_space<vmem>>[vector<16xi32>], vector<16xi32>,
      %swap3A_669 = arith.constant 3 : i32
      %swap3A_670 = arith.index_cast %add3A_423 : i32 to index
      %swap3A_671 = arith.index_cast %swap3A_669 : i32 to index
      %swap3A_672 = arith.constant 0 : index
      %swap3A_673 = tpu.vector_load %arg6[%swap3A_670, %swap3A_671, %swap3A_672] {strides = array<i32>} : memref<50x4x128xi32, #tpu.memory_space<vmem>>, vector<16xi32>,
      tpu.vector_store %arg6[%swap3A_670, %swap3A_671, %swap3A_672], %gather3A_668 {strides = array<i32>} : memref<50x4x128xi32, #tpu.memory_space<vmem>>, vector<16xi32>,
      %add3A_674 = arith.constant 20000 : i32
      %add3A_675 = arith.addi %add3A_674, %add3A_423 : i32
      %add3A_676 = vector.broadcast %add3A_675 : i32 to vector<16xi32>
      %add3A_677 = arith.addi %mul3A_3, %add3A_676 : vector<16xi32>
      %gather3A_678 = tpu.vector_load_idx %arg5[%add3A_677] : memref<25600xi32, #tpu.memory_space<vmem>>[vector<16xi32>], vector<16xi32>,
      %swap3A_679 = arith.constant 3 : i32
      %swap3A_680 = arith.index_cast %add3A_423 : i32 to index
      %swap3A_681 = arith.index_cast %swap3A_679 : i32 to index
      %swap3A_682 = arith.constant 16 : index
      %swap3A_683 = tpu.vector_load %arg6[%swap3A_680, %swap3A_681, %swap3A_682] {strides = array<i32>} : memref<50x4x128xi32, #tpu.memory_space<vmem>>, vector<16xi32>,
      tpu.vector_store %arg6[%swap3A_680, %swap3A_681, %swap3A_682], %gather3A_678 {strides = array<i32>} : memref<50x4x128xi32, #tpu.memory_space<vmem>>, vector<16xi32>,
      %add3A_684 = arith.constant 20800 : i32
      %add3A_685 = arith.addi %add3A_684, %add3A_423 : i32
      %add3A_686 = vector.broadcast %add3A_685 : i32 to vector<16xi32>
      %add3A_687 = arith.addi %mul3A_3, %add3A_686 : vector<16xi32>
      %gather3A_688 = tpu.vector_load_idx %arg5[%add3A_687] : memref<25600xi32, #tpu.memory_space<vmem>>[vector<16xi32>], vector<16xi32>,
      %swap3A_689 = arith.constant 3 : i32
      %swap3A_690 = arith.index_cast %add3A_423 : i32 to index
      %swap3A_691 = arith.index_cast %swap3A_689 : i32 to index
      %swap3A_692 = arith.constant 32 : index
      %swap3A_693 = tpu.vector_load %arg6[%swap3A_690, %swap3A_691, %swap3A_692] {strides = array<i32>} : memref<50x4x128xi32, #tpu.memory_space<vmem>>, vector<16xi32>,
      tpu.vector_store %arg6[%swap3A_690, %swap3A_691, %swap3A_692], %gather3A_688 {strides = array<i32>} : memref<50x4x128xi32, #tpu.memory_space<vmem>>, vector<16xi32>,
      %add3A_694 = arith.constant 21600 : i32
      %add3A_695 = arith.addi %add3A_694, %add3A_423 : i32
      %add3A_696 = vector.broadcast %add3A_695 : i32 to vector<16xi32>
      %add3A_697 = arith.addi %mul3A_3, %add3A_696 : vector<16xi32>
      %gather3A_698 = tpu.vector_load_idx %arg5[%add3A_697] : memref<25600xi32, #tpu.memory_space<vmem>>[vector<16xi32>], vector<16xi32>,
      %swap3A_699 = arith.constant 3 : i32
      %swap3A_700 = arith.index_cast %add3A_423 : i32 to index
      %swap3A_701 = arith.index_cast %swap3A_699 : i32 to index
      %swap3A_702 = arith.constant 48 : index
      %swap3A_703 = tpu.vector_load %arg6[%swap3A_700, %swap3A_701, %swap3A_702] {strides = array<i32>} : memref<50x4x128xi32, #tpu.memory_space<vmem>>, vector<16xi32>,
      tpu.vector_store %arg6[%swap3A_700, %swap3A_701, %swap3A_702], %gather3A_698 {strides = array<i32>} : memref<50x4x128xi32, #tpu.memory_space<vmem>>, vector<16xi32>,
      %add3A_704 = arith.constant 22400 : i32
      %add3A_705 = arith.addi %add3A_704, %add3A_423 : i32
      %add3A_706 = vector.broadcast %add3A_705 : i32 to vector<16xi32>
      %add3A_707 = arith.addi %mul3A_3, %add3A_706 : vector<16xi32>
      %gather3A_708 = tpu.vector_load_idx %arg5[%add3A_707] : memref<25600xi32, #tpu.memory_space<vmem>>[vector<16xi32>], vector<16xi32>,
      %swap3A_709 = arith.constant 3 : i32
      %swap3A_710 = arith.index_cast %add3A_423 : i32 to index
      %swap3A_711 = arith.index_cast %swap3A_709 : i32 to index
      %swap3A_712 = arith.constant 64 : index
      %swap3A_713 = tpu.vector_load %arg6[%swap3A_710, %swap3A_711, %swap3A_712] {strides = array<i32>} : memref<50x4x128xi32, #tpu.memory_space<vmem>>, vector<16xi32>,
      tpu.vector_store %arg6[%swap3A_710, %swap3A_711, %swap3A_712], %gather3A_708 {strides = array<i32>} : memref<50x4x128xi32, #tpu.memory_space<vmem>>, vector<16xi32>,
      %add3A_714 = arith.constant 23200 : i32
      %add3A_715 = arith.addi %add3A_714, %add3A_423 : i32
      %add3A_716 = vector.broadcast %add3A_715 : i32 to vector<16xi32>
      %add3A_717 = arith.addi %mul3A_3, %add3A_716 : vector<16xi32>
      %gather3A_718 = tpu.vector_load_idx %arg5[%add3A_717] : memref<25600xi32, #tpu.memory_space<vmem>>[vector<16xi32>], vector<16xi32>,
      %swap3A_719 = arith.constant 3 : i32
      %swap3A_720 = arith.index_cast %add3A_423 : i32 to index
      %swap3A_721 = arith.index_cast %swap3A_719 : i32 to index
      %swap3A_722 = arith.constant 80 : index
      %swap3A_723 = tpu.vector_load %arg6[%swap3A_720, %swap3A_721, %swap3A_722] {strides = array<i32>} : memref<50x4x128xi32, #tpu.memory_space<vmem>>, vector<16xi32>,
      tpu.vector_store %arg6[%swap3A_720, %swap3A_721, %swap3A_722], %gather3A_718 {strides = array<i32>} : memref<50x4x128xi32, #tpu.memory_space<vmem>>, vector<16xi32>,
      %add3A_724 = arith.constant 24000 : i32
      %add3A_725 = arith.addi %add3A_724, %add3A_423 : i32
      %add3A_726 = vector.broadcast %add3A_725 : i32 to vector<16xi32>
      %add3A_727 = arith.addi %mul3A_3, %add3A_726 : vector<16xi32>
      %gather3A_728 = tpu.vector_load_idx %arg5[%add3A_727] : memref<25600xi32, #tpu.memory_space<vmem>>[vector<16xi32>], vector<16xi32>,
      %swap3A_729 = arith.constant 3 : i32
      %swap3A_730 = arith.index_cast %add3A_423 : i32 to index
      %swap3A_731 = arith.index_cast %swap3A_729 : i32 to index
      %swap3A_732 = arith.constant 96 : index
      %swap3A_733 = tpu.vector_load %arg6[%swap3A_730, %swap3A_731, %swap3A_732] {strides = array<i32>} : memref<50x4x128xi32, #tpu.memory_space<vmem>>, vector<16xi32>,
      tpu.vector_store %arg6[%swap3A_730, %swap3A_731, %swap3A_732], %gather3A_728 {strides = array<i32>} : memref<50x4x128xi32, #tpu.memory_space<vmem>>, vector<16xi32>,
      %add3A_734 = arith.constant 24800 : i32
      %add3A_735 = arith.addi %add3A_734, %add3A_423 : i32
      %add3A_736 = vector.broadcast %add3A_735 : i32 to vector<16xi32>
      %add3A_737 = arith.addi %mul3A_3, %add3A_736 : vector<16xi32>
      %gather3A_738 = tpu.vector_load_idx %arg5[%add3A_737] : memref<25600xi32, #tpu.memory_space<vmem>>[vector<16xi32>], vector<16xi32>,
      %swap3A_739 = arith.constant 3 : i32
      %swap3A_740 = arith.index_cast %add3A_423 : i32 to index
      %swap3A_741 = arith.index_cast %swap3A_739 : i32 to index
      %swap3A_742 = arith.constant 112 : index
      %swap3A_743 = tpu.vector_load %arg6[%swap3A_740, %swap3A_741, %swap3A_742] {strides = array<i32>} : memref<50x4x128xi32, #tpu.memory_space<vmem>>, vector<16xi32>,
      tpu.vector_store %arg6[%swap3A_740, %swap3A_741, %swap3A_742], %gather3A_738 {strides = array<i32>} : memref<50x4x128xi32, #tpu.memory_space<vmem>>, vector<16xi32>,
      %dma_start3A_744 = arith.constant 0 : i32
      %dma_start3A_745 = arith.constant 0 : i32
      %dma_start3A_746 = arith.constant 0 : i32
      %dma_start3A_747 = tpu.memref_slice %arg7[%dma_start3A_745, %dma_start3A_746] : memref<512x64xf32, #tpu.memory_space<vmem>> -> memref<128x64xf32, #tpu.memory_space<vmem>>
      %dma_start3A_748 = arith.constant 0 : i32
      %dma_start3A_749 = tpu.memref_slice %arg6[%add3A_423, %dma_start3A_744, %dma_start3A_748] : memref<50x4x128xi32, #tpu.memory_space<vmem>> -> memref<1x1x128xi32, #tpu.memory_space<vmem>>
      %dma_start3A_750 = tpu.memref_squeeze %dma_start3A_749 : memref<1x1x128xi32, #tpu.memory_space<vmem>> -> memref<128xi32, #tpu.memory_space<vmem>>
      %dma_start3A_751 = arith.constant 0 : i32
      %dma_start3A_752 = arith.constant 0 : i32
      %dma_start3A_753 = tpu.memref_slice %arg2[%dma_start3A_751, %dma_start3A_752] : memref<1000000x64xf32, #tpu.memory_space<hbm>> -> memref<1000000x64xf32, #tpu.memory_space<hbm>>
      tpu.enqueue_indirect_dma source(%dma_start3A_753 : memref<1000000x64xf32, #tpu.memory_space<hbm>>) target(%dma_start3A_747 : memref<128x64xf32, #tpu.memory_space<vmem>>) offsets(%dma_start3A_750 : memref<128xi32, #tpu.memory_space<vmem>>) semaphore(%arg8 : memref<!tpu.dma_semaphore, #tpu.memory_space<semaphore_mem>>) {add = true}
      %dma_start3A_754 = arith.constant 1 : i32
      %dma_start3A_755 = arith.constant 128 : i32
      %dma_start3A_756 = arith.constant 0 : i32
      %dma_start3A_757 = tpu.memref_slice %arg7[%dma_start3A_755, %dma_start3A_756] : memref<512x64xf32, #tpu.memory_space<vmem>> -> memref<128x64xf32, #tpu.memory_space<vmem>>
      %dma_start3A_758 = arith.constant 0 : i32
      %dma_start3A_759 = tpu.memref_slice %arg6[%add3A_423, %dma_start3A_754, %dma_start3A_758] : memref<50x4x128xi32, #tpu.memory_space<vmem>> -> memref<1x1x128xi32, #tpu.memory_space<vmem>>
      %dma_start3A_760 = tpu.memref_squeeze %dma_start3A_759 : memref<1x1x128xi32, #tpu.memory_space<vmem>> -> memref<128xi32, #tpu.memory_space<vmem>>
      %dma_start3A_761 = arith.constant 0 : i32
      %dma_start3A_762 = arith.constant 0 : i32
      %dma_start3A_763 = tpu.memref_slice %arg2[%dma_start3A_761, %dma_start3A_762] : memref<1000000x64xf32, #tpu.memory_space<hbm>> -> memref<1000000x64xf32, #tpu.memory_space<hbm>>
      tpu.enqueue_indirect_dma source(%dma_start3A_763 : memref<1000000x64xf32, #tpu.memory_space<hbm>>) target(%dma_start3A_757 : memref<128x64xf32, #tpu.memory_space<vmem>>) offsets(%dma_start3A_760 : memref<128xi32, #tpu.memory_space<vmem>>) semaphore(%arg8 : memref<!tpu.dma_semaphore, #tpu.memory_space<semaphore_mem>>) {add = true}
      %dma_start3A_764 = arith.constant 2 : i32
      %dma_start3A_765 = arith.constant 256 : i32
      %dma_start3A_766 = arith.constant 0 : i32
      %dma_start3A_767 = tpu.memref_slice %arg7[%dma_start3A_765, %dma_start3A_766] : memref<512x64xf32, #tpu.memory_space<vmem>> -> memref<128x64xf32, #tpu.memory_space<vmem>>
      %dma_start3A_768 = arith.constant 0 : i32
      %dma_start3A_769 = tpu.memref_slice %arg6[%add3A_423, %dma_start3A_764, %dma_start3A_768] : memref<50x4x128xi32, #tpu.memory_space<vmem>> -> memref<1x1x128xi32, #tpu.memory_space<vmem>>
      %dma_start3A_770 = tpu.memref_squeeze %dma_start3A_769 : memref<1x1x128xi32, #tpu.memory_space<vmem>> -> memref<128xi32, #tpu.memory_space<vmem>>
      %dma_start3A_771 = arith.constant 0 : i32
      %dma_start3A_772 = arith.constant 0 : i32
      %dma_start3A_773 = tpu.memref_slice %arg2[%dma_start3A_771, %dma_start3A_772] : memref<1000000x64xf32, #tpu.memory_space<hbm>> -> memref<1000000x64xf32, #tpu.memory_space<hbm>>
      tpu.enqueue_indirect_dma source(%dma_start3A_773 : memref<1000000x64xf32, #tpu.memory_space<hbm>>) target(%dma_start3A_767 : memref<128x64xf32, #tpu.memory_space<vmem>>) offsets(%dma_start3A_770 : memref<128xi32, #tpu.memory_space<vmem>>) semaphore(%arg8 : memref<!tpu.dma_semaphore, #tpu.memory_space<semaphore_mem>>) {add = true}
      %dma_start3A_774 = arith.constant 3 : i32
      %dma_start3A_775 = arith.constant 384 : i32
      %dma_start3A_776 = arith.constant 0 : i32
      %dma_start3A_777 = tpu.memref_slice %arg7[%dma_start3A_775, %dma_start3A_776] : memref<512x64xf32, #tpu.memory_space<vmem>> -> memref<128x64xf32, #tpu.memory_space<vmem>>
      %dma_start3A_778 = arith.constant 0 : i32
      %dma_start3A_779 = tpu.memref_slice %arg6[%add3A_423, %dma_start3A_774, %dma_start3A_778] : memref<50x4x128xi32, #tpu.memory_space<vmem>> -> memref<1x1x128xi32, #tpu.memory_space<vmem>>
      %dma_start3A_780 = tpu.memref_squeeze %dma_start3A_779 : memref<1x1x128xi32, #tpu.memory_space<vmem>> -> memref<128xi32, #tpu.memory_space<vmem>>
      %dma_start3A_781 = arith.constant 0 : i32
      %dma_start3A_782 = arith.constant 0 : i32
      %dma_start3A_783 = tpu.memref_slice %arg2[%dma_start3A_781, %dma_start3A_782] : memref<1000000x64xf32, #tpu.memory_space<hbm>> -> memref<1000000x64xf32, #tpu.memory_space<hbm>>
      tpu.enqueue_indirect_dma source(%dma_start3A_783 : memref<1000000x64xf32, #tpu.memory_space<hbm>>) target(%dma_start3A_777 : memref<128x64xf32, #tpu.memory_space<vmem>>) offsets(%dma_start3A_780 : memref<128xi32, #tpu.memory_space<vmem>>) semaphore(%arg8 : memref<!tpu.dma_semaphore, #tpu.memory_space<semaphore_mem>>) {add = true}
    }
    %scan3A_411 = arith.constant 49 : i32
    %scan3A_412 = arith.constant 0 : i32
    %scan3A_413 = arith.constant 49 : i32
    %scan3A_414 = arith.addi %scan3A_412, %scan3A_413 : i32
    %scan3A_415 = arith.constant 1 : i32
    scf.for %scan3A_419 = %scan3A_412 to %scan3A_414 step %scan3A_415  : i32 {
      %mul3A_420 = arith.constant 1 : i32
      %mul3A_421 = arith.muli %scan3A_419, %mul3A_420 : i32
      %add3A_422 = arith.constant 1 : i32
      %add3A_423 = arith.addi %add3A_422, %mul3A_421 : i32
      %dma_wait3A_424 = arith.constant 0 : i32
      %dma_wait3A_425 = arith.constant 0 : i32
      %dma_wait3A_426 = arith.constant 0 : i32
      %dma_wait3A_427 = tpu.memref_slice %arg7[%dma_wait3A_425, %dma_wait3A_426] : memref<512x64xf32, #tpu.memory_space<vmem>> -> memref<128x64xf32, #tpu.memory_space<vmem>>
      %dma_wait3A_428 = arith.constant 0 : i32
      %dma_wait3A_429 = tpu.memref_slice %arg6[%add3A_423, %dma_wait3A_424, %dma_wait3A_428] : memref<50x4x128xi32, #tpu.memory_space<vmem>> -> memref<1x1x128xi32, #tpu.memory_space<vmem>>
      %dma_wait3A_430 = tpu.memref_squeeze %dma_wait3A_429 : memref<1x1x128xi32, #tpu.memory_space<vmem>> -> memref<128xi32, #tpu.memory_space<vmem>>
      %dma_wait3A_431 = arith.constant 0 : i32
      %dma_wait3A_432 = arith.constant 0 : i32
      %dma_wait3A_433 = tpu.memref_slice %arg2[%dma_wait3A_431, %dma_wait3A_432] : memref<1000000x64xf32, #tpu.memory_space<hbm>> -> memref<1000000x64xf32, #tpu.memory_space<hbm>>
      tpu.wait_indirect_dma semaphore(%arg8 : memref<!tpu.dma_semaphore, #tpu.memory_space<semaphore_mem>>) src(%dma_wait3A_433 : memref<1000000x64xf32, #tpu.memory_space<hbm>>) dst(%dma_wait3A_427 : memref<128x64xf32, #tpu.memory_space<vmem>>)
      %dma_wait3A_434 = arith.constant 1 : i32
      %dma_wait3A_435 = arith.constant 128 : i32
      %dma_wait3A_436 = arith.constant 0 : i32
      %dma_wait3A_437 = tpu.memref_slice %arg7[%dma_wait3A_435, %dma_wait3A_436] : memref<512x64xf32, #tpu.memory_space<vmem>> -> memref<128x64xf32, #tpu.memory_space<vmem>>
      %dma_wait3A_438 = arith.constant 0 : i32
      %dma_wait3A_439 = tpu.memref_slice %arg6[%add3A_423, %dma_wait3A_434, %dma_wait3A_438] : memref<50x4x128xi32, #tpu.memory_space<vmem>> -> memref<1x1x128xi32, #tpu.memory_space<vmem>>
      %dma_wait3A_440 = tpu.memref_squeeze %dma_wait3A_439 : memref<1x1x128xi32, #tpu.memory_space<vmem>> -> memref<128xi32, #tpu.memory_space<vmem>>
      %dma_wait3A_441 = arith.constant 0 : i32
      %dma_wait3A_442 = arith.constant 0 : i32
      %dma_wait3A_443 = tpu.memref_slice %arg2[%dma_wait3A_441, %dma_wait3A_442] : memref<1000000x64xf32, #tpu.memory_space<hbm>> -> memref<1000000x64xf32, #tpu.memory_space<hbm>>
      tpu.wait_indirect_dma semaphore(%arg8 : memref<!tpu.dma_semaphore, #tpu.memory_space<semaphore_mem>>) src(%dma_wait3A_443 : memref<1000000x64xf32, #tpu.memory_space<hbm>>) dst(%dma_wait3A_437 : memref<128x64xf32, #tpu.memory_space<vmem>>)
      %dma_wait3A_444 = arith.constant 2 : i32
      %dma_wait3A_445 = arith.constant 256 : i32
      %dma_wait3A_446 = arith.constant 0 : i32
      %dma_wait3A_447 = tpu.memref_slice %arg7[%dma_wait3A_445, %dma_wait3A_446] : memref<512x64xf32, #tpu.memory_space<vmem>> -> memref<128x64xf32, #tpu.memory_space<vmem>>
      %dma_wait3A_448 = arith.constant 0 : i32
      %dma_wait3A_449 = tpu.memref_slice %arg6[%add3A_423, %dma_wait3A_444, %dma_wait3A_448] : memref<50x4x128xi32, #tpu.memory_space<vmem>> -> memref<1x1x128xi32, #tpu.memory_space<vmem>>
      %dma_wait3A_450 = tpu.memref_squeeze %dma_wait3A_449 : memref<1x1x128xi32, #tpu.memory_space<vmem>> -> memref<128xi32, #tpu.memory_space<vmem>>
      %dma_wait3A_451 = arith.constant 0 : i32
      %dma_wait3A_452 = arith.constant 0 : i32
      %dma_wait3A_453 = tpu.memref_slice %arg2[%dma_wait3A_451, %dma_wait3A_452] : memref<1000000x64xf32, #tpu.memory_space<hbm>> -> memref<1000000x64xf32, #tpu.memory_space<hbm>>
      tpu.wait_indirect_dma semaphore(%arg8 : memref<!tpu.dma_semaphore, #tpu.memory_space<semaphore_mem>>) src(%dma_wait3A_453 : memref<1000000x64xf32, #tpu.memory_space<hbm>>) dst(%dma_wait3A_447 : memref<128x64xf32, #tpu.memory_space<vmem>>)
      %dma_wait3A_454 = arith.constant 3 : i32
      %dma_wait3A_455 = arith.constant 384 : i32
      %dma_wait3A_456 = arith.constant 0 : i32
      %dma_wait3A_457 = tpu.memref_slice %arg7[%dma_wait3A_455, %dma_wait3A_456] : memref<512x64xf32, #tpu.memory_space<vmem>> -> memref<128x64xf32, #tpu.memory_space<vmem>>
      %dma_wait3A_458 = arith.constant 0 : i32
      %dma_wait3A_459 = tpu.memref_slice %arg6[%add3A_423, %dma_wait3A_454, %dma_wait3A_458] : memref<50x4x128xi32, #tpu.memory_space<vmem>> -> memref<1x1x128xi32, #tpu.memory_space<vmem>>
      %dma_wait3A_460 = tpu.memref_squeeze %dma_wait3A_459 : memref<1x1x128xi32, #tpu.memory_space<vmem>> -> memref<128xi32, #tpu.memory_space<vmem>>
      %dma_wait3A_461 = arith.constant 0 : i32
      %dma_wait3A_462 = arith.constant 0 : i32
      %dma_wait3A_463 = tpu.memref_slice %arg2[%dma_wait3A_461, %dma_wait3A_462] : memref<1000000x64xf32, #tpu.memory_space<hbm>> -> memref<1000000x64xf32, #tpu.memory_space<hbm>>
      tpu.wait_indirect_dma semaphore(%arg8 : memref<!tpu.dma_semaphore, #tpu.memory_space<semaphore_mem>>) src(%dma_wait3A_463 : memref<1000000x64xf32, #tpu.memory_space<hbm>>) dst(%dma_wait3A_457 : memref<128x64xf32, #tpu.memory_space<vmem>>)
    }
    %scan3A_416 = arith.constant 49 : i32
    %mul3A_417 = arith.constant 512 : i32
    %mul3A_418 = arith.muli %add3A, %mul3A_417 : i32
    "tpu.region"() ({
      %run_scoped3A = tpu.sem_alloc : memref<!tpu.dma_semaphore, #tpu.memory_space<semaphore_mem>>
      %dma_start3A_419 = arith.constant 0 : i32
      %dma_start3A_420 = tpu.memref_slice %arg4[%mul3A_418, %dma_start3A_419] : memref<16384x64xf32, #tpu.memory_space<hbm>> -> memref<512x64xf32, #tpu.memory_space<hbm>>
      %dma_start3A_421 = arith.constant 0 : i32
      %dma_start3A_422 = tpu.memref_slice %arg4[%mul3A_418, %dma_start3A_421] : memref<16384x64xf32, #tpu.memory_space<hbm>> -> memref<512x64xf32, #tpu.memory_space<hbm>>
      tpu.enqueue_dma source(%arg7 : memref<512x64xf32, #tpu.memory_space<vmem>>) target(%dma_start3A_422 : memref<512x64xf32, #tpu.memory_space<hbm>>) target_semaphore(%run_scoped3A : memref<!tpu.dma_semaphore, #tpu.memory_space<semaphore_mem>>)
      %dma_wait3A_423 = arith.constant 0 : i32
      %dma_wait3A_424 = tpu.memref_slice %arg4[%mul3A_418, %dma_wait3A_423] : memref<16384x64xf32, #tpu.memory_space<hbm>> -> memref<512x64xf32, #tpu.memory_space<hbm>>
      %dma_wait3A_425 = arith.constant 0 : i32
      %dma_wait3A_426 = tpu.memref_slice %arg4[%mul3A_418, %dma_wait3A_425] : memref<16384x64xf32, #tpu.memory_space<hbm>> -> memref<512x64xf32, #tpu.memory_space<hbm>>
      tpu.wait_dma2 semaphore(%run_scoped3A : memref<!tpu.dma_semaphore, #tpu.memory_space<semaphore_mem>>) src(%arg7 : memref<512x64xf32, #tpu.memory_space<vmem>>) dst(%dma_wait3A_426 : memref<512x64xf32, #tpu.memory_space<hbm>>)
      tpu.yield
    }) : () -> ()
    return
  }
}

</mosaic_0001>

<sc_bundles>
// kernel: kernel.3.cloned.1.call-start
scs
__scs_entry_jumppad:
0x0: {  	(pc) =	sbr.rel $0x88, $3  }
0x1: {  	(tag) =	ssettag $0x0;
	lr =	simm.s32 $0x1  }
0x2: {  	[smem:$0x3F9F] =	sst lr;
	_ =	strace $0xD0000000  }
0x3: {  	_ = 	snop  }
0x4: {  	_ = 	snop  }
0x5: {  	_ = 	snop  }
0x6: {  	_ = 	snop  }
0x7: {  	_ = 	snop  }
__scs_overlays_trampoline_lowered:
0x8: {  	[smem:$0x3FAE] =	sst s0  }
0x9: {  	[smem:$0x3FAF] =	sst s1  }
0xa: {  	[smem:$0x3FB0] =	sst s2  }
0xb: {  	[smem:$0x3FB1] =	sst s3  }
0xc: {  	[smem:$0x3FB2] =	sst s4  }
0xd: {  	[smem:$0x3FB3] =	sst s5  }
0xe: {  	[smem:$0x3FB4] =	sst s6  }
0xf: {  	[smem:$0x3FB5] =	sst s7  }
0x10: {  	[smem:$0x3FB6] =	sst s8  }
0x11: {  	[smem:$0x3FB7] =	sst s9;
	s0 =	simm.s32 @!p0 $0x0  }
0x12: {  	s1 =	sld [smem:$0x3F9D];
	s0 =	simm.s32 @p0 $0x1  }
0x13: {  	[smem:$0x3FB8] =	sst s0;
	s0 =	simm.s32 @!p1 $0x0  }
0x14: {  	s2 =	sld [smem:$0x3F9C];
	s0 =	simm.s32 @p1 $0x1  }
0x15: {  	[smem:$0x3FB9] =	sst s0;
	s0 =	simm.s32 @!p2 $0x0  }
0x16: {  	s3 =	sld [smem:$0x3FDB];
	s0 =	simm.s32 @p2 $0x1  }
0x17: {  	s4 =	simm.s32 $0x1BF5;
	[smem:$0x3FBB] =	sst s0  }
0x18: {  	s0 =	sld [smem:$0x3F9E];
	_ =	swait.ge [sflag:s4], $0x0  }
0x19: {  	s7 =	sld [smem:$0x3F9F]  }
0x1a: {  	s8 =	sadd.s32 $0xFFFFE003, lr  }
0x1b: {  	s9 =	sadd.s32 $0xFFFFFEF7, lr;
	s5 =	simm.s32 $0xFFFFFFFF;
	p2 =	slt.u32 s8, $0xFFFFF086  }
0x1c: {  	p1 =	slt.u32 s9, $0xF7A;
	s5 =	simm.s32 @!p2 $0x0  }
0x1d: {  	s5 =	simm.s32 @p1 $0x1;
	p0 =	seq.s32 s7, s2  }
0x1e: {  	s7 =	smul.u32 @!p0 $0xF7A, s2;
	p2 =	seq.s32 @!p0 s5, $0x0  }
0x1f: {  	s9 =	smul.u32 $0xF7A, s1;
	s8 =	simm.s32 @!p0 $0x1BF5;
	p2 =	por !p2, p0  }
0x20: {  	[sflag:s8] =	ssyncset.s32 @!p0 $0xFFFFF086;
	s6 =	sadd.s32 @!p0 s3, s7;
	s7 =	simm.s32 @!p0 $0x108  }
0x21: {  	s3 =	sadd.s32 s3, s9;
	s6 =	sadd.s32 @!p0 $0x88, s6;
	s7 =	simm.s32 @p2 $0x1082  }
0x22: {  	[simem:s7], [sflag:s8] =	dma.local @!p0 [hbm:s6], $0xF7A  }
0x23: {  	s9 =	sor.u32 $0xD0000000, s2;
	s6 =	simm.s32 $0x108;
	_ =	swait.ge @!p0 [sflag:s8], $0x0  }
0x24: {  	s3 =	sadd.s32 $0x88, s3;
	s6 =	simm.s32 @!p1 $0x1082;
	[sflag:s4] =	ssyncset.s32 $0xFFFFF086  }
0x25: {  	[simem:s6], [sflag:s4] =	dma.local [hbm:s3], $0xF7A  }
0x26: {  	[smem:$0x3F9F] =	sst s1;
	(tag) =	ssettag s2;
	_ =	strace s9  }
0x27: {  	s1 =	sld [smem:$0x3FAF]  }
0x28: {  	s2 =	sld [smem:$0x3FB0]  }
0x29: {  	s4 =	sld [smem:$0x3FB2]  }
0x2a: {  	p0 =	seq.s32 s5, $0x0;
	s5 =	sld [smem:$0x3FB3]  }
0x2b: {  	s6 =	sld [smem:$0x3FB4]  }
0x2c: {  	s7 =	sld [smem:$0x3FB5]  }
0x2d: {  	s3 =	simm.s32 $0x108;
	s8 =	sld [smem:$0x3FB6]  }
0x2e: {  	s3 =	simm.s32 @!p0 $0x1082;
	s9 =	sld [smem:$0x3FB7]  }
0x2f: {  	lr =	sadd.s32 s0, s3;
	s0 =	sld [smem:$0x3FAE]  }
0x30: {  	s3 =	sld [smem:$0x3FB1]  }
0x31: {  	[smem:$0x3FBA] =	sst s10  }
0x32: {  	s10 =	sld [smem:$0x3FB8];
	_ =	sdelay $0x3  }
0x33: {  	p0 =	seq.s32 s10, $0x1;
	s10 =	sld [smem:$0x3FBA];
	_ =	sdelay $0x3  }
0x34: {  	[smem:$0x3FBA] =	sst s10  }
0x35: {  	s10 =	sld [smem:$0x3FB9];
	_ =	sdelay $0x3  }
0x36: {  	p1 =	seq.s32 s10, $0x1;
	s10 =	sld [smem:$0x3FBA];
	_ =	sdelay $0x3  }
0x37: {  	[smem:$0x3FBA] =	sst s10  }
0x38: {  	s10 =	sld [smem:$0x3FBB]  }
0x39: {  	_ = 	snop;
	(pc) =	sbr.ind lr, $3  }
0x3a: {  	_ = 	snop  }
0x3b: {  	_ = 	snop  }
0x3c: {  	p2 =	seq.s32 s10, $0x1;
	s10 =	sld [smem:$0x3FBA]  }
0x3d: {  	_ =	shalt  }
0x3e: {  	_ =	shalt  }
0x3f: {  	_ =	shalt  }
0x40: {  	_ =	shalt  }
0x41: {  	_ =	shalt  }
0x42: {  	_ =	shalt  }
0x43: {  	_ =	shalt  }
0x44: {  	_ =	shalt  }
0x45: {  	_ =	shalt  }
0x46: {  	_ =	shalt  }
0x47: {  	_ =	shalt  }
0x48: {  	_ =	shalt  }
0x49: {  	_ =	shalt  }
0x4a: {  	_ =	shalt  }
0x4b: {  	_ =	shalt  }
0x4c: {  	_ =	shalt  }
0x4d: {  	_ =	shalt  }
0x4e: {  	_ =	shalt  }
0x4f: {  	_ =	shalt  }
0x50: {  	_ =	shalt  }
0x51: {  	_ =	shalt  }
0x52: {  	_ =	shalt  }
0x53: {  	_ =	shalt  }
0x54: {  	_ =	shalt  }
0x55: {  	_ =	shalt  }
0x56: {  	_ =	shalt  }
0x57: {  	_ =	shalt  }
0x58: {  	_ =	shalt  }
0x59: {  	_ =	shalt  }
0x5a: {  	_ =	shalt  }
0x5b: {  	_ =	shalt  }
0x5c: {  	_ =	shalt  }
0x5d: {  	_ =	shalt  }
0x5e: {  	_ =	shalt  }
0x5f: {  	_ =	shalt  }
0x60: {  	_ =	shalt  }
0x61: {  	_ =	shalt  }
0x62: {  	_ =	shalt  }
0x63: {  	_ =	shalt  }
0x64: {  	_ =	shalt  }
0x65: {  	_ =	shalt  }
0x66: {  	_ =	shalt  }
0x67: {  	_ =	shalt  }
0x68: {  	_ =	shalt  }
0x69: {  	_ =	shalt  }
0x6a: {  	_ =	shalt  }
0x6b: {  	_ =	shalt  }
0x6c: {  	_ =	shalt  }
0x6d: {  	_ =	shalt  }
0x6e: {  	_ =	shalt  }
0x6f: {  	_ =	shalt  }
0x70: {  	_ =	shalt  }
0x71: {  	_ =	shalt  }
0x72: {  	_ =	shalt  }
0x73: {  	_ =	shalt  }
0x74: {  	_ =	shalt  }
0x75: {  	_ =	shalt  }
0x76: {  	_ =	shalt  }
0x77: {  	_ =	shalt  }
0x78: {  	_ =	shalt  }
0x79: {  	_ =	shalt  }
0x7a: {  	_ =	shalt  }
0x7b: {  	_ =	shalt  }
0x7c: {  	_ =	shalt  }
0x7d: {  	_ =	shalt  }
0x7e: {  	_ =	shalt  }
0x7f: {  	_ =	shalt  }
0x80: {  	_ =	shalt  }
0x81: {  	_ =	shalt  }
0x82: {  	_ =	shalt  }
0x83: {  	_ =	shalt  }
0x84: {  	_ =	shalt  }
0x85: {  	_ =	shalt  }
0x86: {  	_ =	shalt  }
0x87: {  	_ =	shalt  }
.Lfunc_end0:
.L_simem_size_0:
called_computation_lowered:
.L_overlay_start_0:
0x88: {  	s2 =	sld [smem:$0x3FD9]  }
0x89: {  	s3 =	sld [smem:$0x3FFE];
	_ =	sdelay $0x1  }
0x8a: {  	s1 =	srdreg.scid  }
0x8b: {  	s0 =	sand.u32 $0x1, s1  }
0x8c: {  	s17 =	sshll.u32 s0, $0xA;
	s2 =	sadd.s32 s3, s2  }
0x8d: {  	s2 =	sadd.s32 s2, s17  }
0x8e: {  	[smem:$0x3FC6] =	sst s2  }
0x8f: {  	_ = 	snop  }
0x90: {  	s2 =	sld [smem:$0x3FD0];
	(tm) =	ssettm $0x1  }
0x91: {  	s18 =	sld [smem:$0x3FFB];
	_ =	sdelay $0x3  }
0x92: {  	_ =	strace s18  }
0x93: {  	s3 =	sld [smem:$0x3FFC];
	_ =	sdelay $0x3  }
0x94: {  	_ =	strace s3  }
0x95: {  	s3 =	sld [smem:$0x3FFD];
	_ =	sdelay $0x3  }
0x96: {  	_ =	strace s3  }
0x97: {  	_ =	strace $0x8FFFFFFF  }
0x98: {  	s19 =	sld [smem:$0x3FDB];
	_ =	sdelay $0x1  }
0x99: {  	s4 =	simm.s32 $_scs_section_size  }
0x9a: {  	s5 =	simm.s32 $_size__tile_overlayer_lowered;
	s6 =	simm.s32 $_tile_overlayer_lowered  }
0x9b: {  	s22 =	simm.s32 $0x1BFF;
	s21 =	sshll.u32 s6, $0x1;
	s3 =	sadd.s32 s4, s19  }
0x9c: {  	s7 =	simm.s32 $0x0;
	s20 =	sshll.u32 s5, $0x1;
	s5 =	sadd.s32 s21, s3  }
0x9d: {  	[timem:s7], [sflag:s22] =	dma.local [hbm:s5], s20  }
0x9e: {  	_ =	swait.ge [sflag:s22], s20  }
0x9f: {  	s4 =	ssub.s32 $0x0, s20;
	[sflag:s22] =	ssyncset.done $0x0  }
0xa0: {  	[sflag:s22] =	ssyncadd.s32 s4;
	_ =	sdelay $0x1  }
0xa1: {  	s23 =	simm.s32 $0x1B8B  }
0xa2: {  	_ =	swait.ge [sflag:s23], $0x1  }
0xa3: {  	[sflag:s23] =	ssyncset.done $0x0  }
0xa4: {  	s25 =	simm.s32 $0x1B8E;
	s24 =	sld [smem:$0x3FFE];
	[sflag:s23] =	ssyncadd.s32 $0xFFFFFFFF  }
0xa5: {  	s26 =	simm.s32 $execute0_lowered;
	[smem:$0x3FD2] =	sst s25  }
0xa6: {  	s5 =	sshll.u32 s26, $0x1;
	_ =	strace $0x80000046;
	[dreg:$0x1] =	wrdreg $0xFFFFFFFF  }
0xa7: {  	s28 =	simm.s32 $_size_execute0_lowered;
	s3 =	sadd.s32 s3, s5;
	[dreg:$0x0] =	wrdreg $0x0  }
0xa8: {  	s5 =	sshll.u32 s28, $0x1;
	[dreg:$0x2] =	wrdreg s3  }
0xa9: {  	[dreg:$0x3] =	wrdreg s5  }
0xaa: {  	[dreg:$0x4] =	wrdreg $0xC0  }
0xab: {  	_ =	task [dreg:s7], $0x5FFFF  }
0xac: {  	[dreg:$0x1] =	wrdreg $0xFFFFFFFF  }
0xad: {  	[dreg:$0x0] =	wrdreg $0x60  }
0xae: {  	[dreg:$0x2] =	wrdreg s24  }
0xaf: {  	[dreg:$0x3] =	wrdreg s2  }
0xb0: {  	[dreg:$0x4] =	wrdreg $0x9  }
0xb1: {  	_ =	task.clear_ibuf [dreg:s7], $0x5FFFF;
	_ =	strace $0x90000046  }
0xb2: {  	s29 =	simm.s32 $0x9;
	_ =	strace $0x80000048  }
0xb3: {  	_ =	swait.ge [sflag:s29], $0x1  }
0xb4: {  	[sflag:s29] =	ssyncadd.s32 $0xFFFFFFFF  }
0xb5: {  	_ =	strace $0x90000048  }
0xb6: {  	_ =	sfence  }
0xb7: {  	s30 =	sld [smem:$0x0];
	_ =	sdelay $0x2  }
0xb8: {  	s31 =	sshll.u32 s1, $0xD;
	s1 =	sshrl.u32 s1, $0x2  }
0xb9: {  	s3 =	sand.u32 $0x4000, s31;
	s1 =	sadd.s32 s1, s30  }
0xba: {  	s0 =	sor.u32 s3, s0;
	s1 =	sshll.u32 s1, $0x11  }
0xbb: {  	s0 =	sor.u32 s1, s0  }
0xbc: {  	s0 =	sadd.s32 $0x8F2B, s0  }
0xbd: {  	[sflag:s0] =	ssyncadd.remote.s32 $0x1  }
0xbe: {  	_ =	sfence.sel $0xFFFF  }
0xbf: {  	[dreg:$0x0] =	wrdreg $0xFFFFFFFF;
	(pc) =	sbr.abs _section_cstart, $3  }
0xc0: {  	[dreg:$0x1] =	wrdreg $0xFFFFFFFF  }
0xc1: {  	_ =	task.clear_ibuf [dreg:s7], $0x2FFFF;
	_ =	strace $0x9FFFFFFF  }
0xc2: {  	(tm) =	ssettm $0x7FFFFFFF  }
0xc3: {  	_ =	shalt  }
tec
execute0_lowered:
.L_overlay_start_1:
0x0: {  	(tag) =	ssettag $0x1  }
0x1: {  	v0 =	vlaneseq.u32  }
0x2: {  	s4 =	rddreg [dreg:$0x0];
	v0 =	vmul.u32 $0x32, v0  }
0x3: {  	s5 =	rddreg [dreg:$0x1]  }
0x4: {  	s0 =	rddreg [dreg:$0x2];
	v1 =	vadd.s32 $0x320, v0  }
0x5: {  	s3 =	srdreg.scid;
	s1 =	stileid.u32;
	s2 =	simm.s32 $0x0;
	v2 =	vadd.s32 $0x640, v0;
	v3 =	vadd.s32 $0x960, v0;
	v4 =	vadd.s32 $0xC80, v0  }
0x6: {  	s10 =	simm.s32 $0xC800;
	s11 =	simm.s32 $0x6480;
	s12 =	simm.s32 $0xE800;
	v5 =	vadd.s32 $0xFA0, v0;
	v6 =	vadd.s32 $0x12C0, v0;
	v7 =	vadd.s32 $0x15E0, v0  }
0x7: {  	s13 =	simm.s32 $0x6500;
	s14 =	simm.s32 $0x10800;
	s15 =	simm.s32 $0x6580;
	v8 =	vadd.s32 $0x1900, v0;
	v9 =	vadd.s32 $0x1C20, v0;
	v10 =	vadd.s32 $0x1F40, v0  }
0x8: {  	s16 =	simm.s32 $0x12800;
	s17 =	simm.s32 $0x1;
	s18 =	simm.s32 $0x0;
	v11 =	vadd.s32 $0x2260, v0;
	v12 =	vadd.s32 $0x2580, v0;
	v13 =	vadd.s32 $0x28A0, v0  }
0x9: {  	s3 =	sand.u32 $0x1, s3;
	s6 =	sshll.u32 s1, $0x1;
	[smem:$0x7FF] =	sst s2;
	v14 =	vadd.s32 $0x2BC0, v0;
	v15 =	vadd.s32 $0x2EE0, v0;
	v16 =	vadd.s32 $0x3200, v0  }
0xa: {  	s6 =	sor.u32 s3, s6;
	_ =	strace $0x80000047;
	s8 =	ssub.s32 $0x2, s3;
	v17 =	vadd.s32 $0x3520, v0;
	v18 =	vadd.s32 $0x3840, v0;
	v19 =	vadd.s32 $0x3B60, v0  }
0xb: {  	s7 =	smul.u32 $0xC80, s6;
	s9 =	sshrl.u32 s8, $0x1;
	s6 =	sshll.u32 s6, $0xC;
	v20 =	vadd.s32 $0x3E80, v0;
	v21 =	vadd.s32 $0x41A0, v0;
	v22 =	vadd.s32 $0x44C0, v0  }
0xc: {  	s3 =	sadd.s32 $0xF42A00, s4;
	v23 =	vadd.s32 $0x47E0, v0;
	v24 =	vadd.s32 $0x4B00, v0;
	v25 =	vadd.s32 $0x4E20, v0;
	s31 =	ssub.s32 s8, s9;
	s5 =	sadd.s32 s5, s6  }
0xd: {  	v26 =	vadd.s32 $0x5140, v0;
	v27 =	vadd.s32 $0x5460, v0;
	v28 =	vadd.s32 $0x5780, v0;
	s8 =	simm.s32 $0x80;
	s9 =	simm.s32 $0x6400;
	s4 =	sadd.s32 s7, s4  }
0xe: {  	v29 =	vadd.s32 $0x5AA0, v0;
	v30 =	vadd.s32 $0x5DC0, v0;
	v31 =	vadd.s32 $0x60E0, v0;
	s6 =	smax.u32 s31, $0x1;
	s7 =	simm.s32 $0x2;
	s4 =	sadd.s32 $0x600, s4  }
.LBB2_1:
0xf: {  	[tilespmem:s2], [sflag:$0x2] =	stream.linear.gather [hbm4b:s4+s2], $0x6400, $0x38;
	[tilespmem:$0x14800] =	vst v63  }
0x10: {  	_ =	swait.ge [sflag:s7], $0x6400  }
0x11: {  	[sflag:s7] =	ssyncset.done $0x0  }
0x12: {  	[sflag:s7] =	ssyncadd.s32 $0xFFFF9C00  }
0x13: {  	v32 =	vld.idx.msk [tilespmem:v0+s2+$0x0], $0xffff;
	_ =	sdelay $0x4  }
0x14: {  	[tilespmem:$0x6400] =	vst v32  }
0x15: {  	v32 =	vld.idx.msk [tilespmem:v1+s2+$0x0], $0xffff;
	_ =	sdelay $0x4  }
0x16: {  	[tilespmem:$0x6410] =	vst v32  }
0x17: {  	v32 =	vld.idx.msk [tilespmem:v2+s2+$0x0], $0xffff;
	_ =	sdelay $0x4  }
0x18: {  	[tilespmem:$0x6420] =	vst v32  }
0x19: {  	v32 =	vld.idx.msk [tilespmem:v3+s2+$0x0], $0xffff;
	_ =	sdelay $0x4  }
0x1a: {  	[tilespmem:$0x6430] =	vst v32  }
0x1b: {  	v32 =	vld.idx.msk [tilespmem:v4+s2+$0x0], $0xffff;
	_ =	sdelay $0x4  }
0x1c: {  	[tilespmem:$0x6440] =	vst v32  }
0x1d: {  	v32 =	vld.idx.msk [tilespmem:v5+s2+$0x0], $0xffff;
	_ =	sdelay $0x4  }
0x1e: {  	[tilespmem:$0x6450] =	vst v32  }
0x1f: {  	v32 =	vld.idx.msk [tilespmem:v6+s2+$0x0], $0xffff;
	_ =	sdelay $0x4  }
0x20: {  	[tilespmem:$0x6460] =	vst v32  }
0x21: {  	v32 =	vld.idx.msk [tilespmem:v7+s2+$0x0], $0xffff;
	_ =	sdelay $0x4  }
0x22: {  	[tilespmem:$0x6470] =	vst v32  }
0x23: {  	v32 =	vld.idx.msk [tilespmem:v8+s2+$0x0], $0xffff;
	_ =	sdelay $0x4  }
0x24: {  	[tilespmem:$0x6480] =	vst v32  }
0x25: {  	v32 =	vld.idx.msk [tilespmem:v9+s2+$0x0], $0xffff;
	_ =	sdelay $0x4  }
0x26: {  	[tilespmem:$0x6490] =	vst v32  }
0x27: {  	v32 =	vld.idx.msk [tilespmem:v10+s2+$0x0], $0xffff;
	_ =	sdelay $0x4  }
0x28: {  	[tilespmem:$0x64A0] =	vst v32  }
0x29: {  	v32 =	vld.idx.msk [tilespmem:v11+s2+$0x0], $0xffff;
	_ =	sdelay $0x4  }
0x2a: {  	[tilespmem:$0x64B0] =	vst v32  }
0x2b: {  	v32 =	vld.idx.msk [tilespmem:v12+s2+$0x0], $0xffff;
	_ =	sdelay $0x4  }
0x2c: {  	[tilespmem:$0x64C0] =	vst v32  }
0x2d: {  	v32 =	vld.idx.msk [tilespmem:v13+s2+$0x0], $0xffff;
	_ =	sdelay $0x4  }
0x2e: {  	[tilespmem:$0x64D0] =	vst v32  }
0x2f: {  	v32 =	vld.idx.msk [tilespmem:v14+s2+$0x0], $0xffff;
	_ =	sdelay $0x4  }
0x30: {  	[tilespmem:$0x64E0] =	vst v32  }
0x31: {  	v32 =	vld.idx.msk [tilespmem:v15+s2+$0x0], $0xffff;
	_ =	sdelay $0x4  }
0x32: {  	[tilespmem:$0x64F0] =	vst v32  }
0x33: {  	v32 =	vld.idx.msk [tilespmem:v16+s2+$0x0], $0xffff;
	_ =	sdelay $0x4  }
0x34: {  	[tilespmem:$0x6500] =	vst v32  }
0x35: {  	v32 =	vld.idx.msk [tilespmem:v17+s2+$0x0], $0xffff;
	_ =	sdelay $0x4  }
0x36: {  	[tilespmem:$0x6510] =	vst v32  }
0x37: {  	v32 =	vld.idx.msk [tilespmem:v18+s2+$0x0], $0xffff;
	_ =	sdelay $0x4  }
0x38: {  	[tilespmem:$0x6520] =	vst v32  }
0x39: {  	v32 =	vld.idx.msk [tilespmem:v19+s2+$0x0], $0xffff;
	_ =	sdelay $0x4  }
0x3a: {  	[tilespmem:$0x6530] =	vst v32  }
0x3b: {  	v32 =	vld.idx.msk [tilespmem:v20+s2+$0x0], $0xffff;
	_ =	sdelay $0x4  }
0x3c: {  	[tilespmem:$0x6540] =	vst v32  }
0x3d: {  	v32 =	vld.idx.msk [tilespmem:v21+s2+$0x0], $0xffff;
	_ =	sdelay $0x4  }
0x3e: {  	[tilespmem:$0x6550] =	vst v32  }
0x3f: {  	v32 =	vld.idx.msk [tilespmem:v22+s2+$0x0], $0xffff;
	_ =	sdelay $0x4  }
0x40: {  	[tilespmem:$0x6560] =	vst v32  }
0x41: {  	v32 =	vld.idx.msk [tilespmem:v23+s2+$0x0], $0xffff;
	_ =	sdelay $0x4  }
0x42: {  	[tilespmem:$0x6570] =	vst v32  }
0x43: {  	v32 =	vld.idx.msk [tilespmem:v24+s2+$0x0], $0xffff;
	_ =	sdelay $0x4  }
0x44: {  	[tilespmem:$0x6580] =	vst v32  }
0x45: {  	v32 =	vld.idx.msk [tilespmem:v25+s2+$0x0], $0xffff;
	_ =	sdelay $0x4  }
0x46: {  	[tilespmem:$0x6590] =	vst v32  }
0x47: {  	v32 =	vld.idx.msk [tilespmem:v26+s2+$0x0], $0xffff;
	_ =	sdelay $0x4  }
0x48: {  	[tilespmem:$0x65A0] =	vst v32  }
0x49: {  	v32 =	vld.idx.msk [tilespmem:v27+s2+$0x0], $0xffff;
	_ =	sdelay $0x4  }
0x4a: {  	[tilespmem:$0x65B0] =	vst v32  }
0x4b: {  	v32 =	vld.idx.msk [tilespmem:v28+s2+$0x0], $0xffff;
	_ =	sdelay $0x4  }
0x4c: {  	[tilespmem:$0x65C0] =	vst v32  }
0x4d: {  	v32 =	vld.idx.msk [tilespmem:v29+s2+$0x0], $0xffff;
	_ =	sdelay $0x4  }
0x4e: {  	[tilespmem:$0x65D0] =	vst v32  }
0x4f: {  	v32 =	vld.idx.msk [tilespmem:v30+s2+$0x0], $0xffff;
	_ =	sdelay $0x4  }
0x50: {  	[tilespmem:$0x65E0] =	vst v32  }
0x51: {  	v32 =	vld.idx.msk [tilespmem:v31+s2+$0x0], $0xffff;
	_ =	sdelay $0x4  }
0x52: {  	[tilespmem:$0x65F0] =	vst v32  }
0x53: {  	[tilespmem:s10], [sflag:$0x1] =	stream.indirect.gather [hbm4b:s3+s8], $0x40, s9, s8, $0xb8;
	[tilespmem:$0x14800] =	vst v63  }
0x54: {  	_ = 	snop  }
0x55: {  	[tilespmem:s12], [sflag:$0x1] =	stream.indirect.gather [hbm4b:s3+s8], $0x40, s11, s8, $0xb8;
	[tilespmem:$0x14800] =	vst v63  }
0x56: {  	_ = 	snop  }
0x57: {  	[tilespmem:s14], [sflag:$0x1] =	stream.indirect.gather [hbm4b:s3+s8], $0x40, s13, s8, $0xb8;
	[tilespmem:$0x14800] =	vst v63  }
0x58: {  	_ = 	snop  }
0x59: {  	[tilespmem:s16], [sflag:$0x1] =	stream.indirect.gather [hbm4b:s3+s8], $0x40, s15, s8, $0xb8;
	[tilespmem:$0x14800] =	vst v63  }
0x5a: {  	_ =	swait.ge [sflag:s17], $0x2000  }
0x5b: {  	[sflag:s17] =	ssyncset.done $0x0  }
0x5c: {  	[sflag:s17] =	ssyncadd.s32 $0xFFFFE000  }
0x5d: {  	_ =	swait.ge [sflag:s17], $0x2000  }
0x5e: {  	[sflag:s17] =	ssyncset.done $0x0  }
0x5f: {  	[sflag:s17] =	ssyncadd.s32 $0xFFFFE000  }
0x60: {  	s19 =	simm.s32 $0x1;
	_ =	swait.ge [sflag:s17], $0x2000  }
0x61: {  	v61 =	vadd.s32 s19, v0;
	[sflag:s17] =	ssyncset.done $0x0  }
0x62: {  	[sflag:s17] =	ssyncadd.s32 $0xFFFFE000  }
0x63: {  	_ =	swait.ge [sflag:s17], $0x2000  }
0x64: {  	[sflag:s17] =	ssyncset.done $0x0  }
0x65: {  	[sflag:s17] =	ssyncadd.s32 $0xFFFFE000  }
0x66: {  	s29 =	simm.s32 $0x321;
	v32 =	vld.idx.msk [tilespmem:v61+s2+$0x0], $0xffff  }
0x67: {  	v33 =	vadd.s32 s29, v0;
	_ =	sdelay $0x2  }
0x68: {  	s19 =	simm.s32 $0x6600  }
0x69: {  	[tilespmem:s19+$0x0] =	vst v32  }
0x6a: {  	s20 =	simm.s32 $0x641;
	v32 =	vld.idx.msk [tilespmem:v33+s2+$0x0], $0xffff  }
0x6b: {  	v62 =	vadd.s32 s20, v0;
	_ =	sdelay $0x3  }
0x6c: {  	[tilespmem:s19+$0x10] =	vst v32  }
0x6d: {  	s30 =	simm.s32 $0x961;
	v32 =	vld.idx.msk [tilespmem:v62+s2+$0x0], $0xffff  }
0x6e: {  	v63 =	vadd.s32 s30, v0;
	_ =	sdelay $0x3  }
0x6f: {  	[tilespmem:s19+$0x20] =	vst v32  }
0x70: {  	s31 =	simm.s32 $0xC81;
	v32 =	vld.idx.msk [tilespmem:v63+s2+$0x0], $0xffff  }
0x71: {  	v36 =	vadd.s32 s31, v0;
	_ =	sdelay $0x3  }
0x72: {  	[tilespmem:s19+$0x30] =	vst v32  }
0x73: {  	s21 =	simm.s32 $0xFA1;
	v32 =	vld.idx.msk [tilespmem:v36+s2+$0x0], $0xffff  }
0x74: {  	v37 =	vadd.s32 s21, v0;
	_ =	sdelay $0x3  }
0x75: {  	[tilespmem:s19+$0x40] =	vst v32  }
0x76: {  	s22 =	simm.s32 $0x12C1;
	v32 =	vld.idx.msk [tilespmem:v37+s2+$0x0], $0xffff  }
0x77: {  	v38 =	vadd.s32 s22, v0;
	_ =	sdelay $0x3  }
0x78: {  	[tilespmem:s19+$0x50] =	vst v32  }
0x79: {  	s23 =	simm.s32 $0x15E1;
	v32 =	vld.idx.msk [tilespmem:v38+s2+$0x0], $0xffff  }
0x7a: {  	v39 =	vadd.s32 s23, v0;
	_ =	sdelay $0x3  }
0x7b: {  	[tilespmem:s19+$0x60] =	vst v32  }
0x7c: {  	s24 =	simm.s32 $0x1901;
	v32 =	vld.idx.msk [tilespmem:v39+s2+$0x0], $0xffff  }
0x7d: {  	v40 =	vadd.s32 s24, v0;
	_ =	sdelay $0x3  }
0x7e: {  	[tilespmem:s19+$0x70] =	vst v32  }
0x7f: {  	s25 =	simm.s32 $0x1C21;
	v32 =	vld.idx.msk [tilespmem:v40+s2+$0x0], $0xffff  }
0x80: {  	v41 =	vadd.s32 s25, v0;
	_ =	sdelay $0x3  }
0x81: {  	[tilespmem:s19+$0x80] =	vst v32  }
0x82: {  	s26 =	simm.s32 $0x1F41;
	v32 =	vld.idx.msk [tilespmem:v41+s2+$0x0], $0xffff  }
0x83: {  	v42 =	vadd.s32 s26, v0;
	_ =	sdelay $0x3  }
0x84: {  	[tilespmem:s19+$0x90] =	vst v32  }
0x85: {  	s28 =	simm.s32 $0x2261;
	v32 =	vld.idx.msk [tilespmem:v42+s2+$0x0], $0xffff  }
0x86: {  	v43 =	vadd.s32 s28, v0;
	_ =	sdelay $0x3  }
0x87: {  	[tilespmem:s19+$0xA0] =	vst v32  }
0x88: {  	s29 =	simm.s32 $0x2581;
	v32 =	vld.idx.msk [tilespmem:v43+s2+$0x0], $0xffff  }
0x89: {  	v44 =	vadd.s32 s29, v0;
	_ =	sdelay $0x3  }
0x8a: {  	[tilespmem:s19+$0xB0] =	vst v32  }
0x8b: {  	s30 =	simm.s32 $0x28A1;
	v32 =	vld.idx.msk [tilespmem:v44+s2+$0x0], $0xffff  }
0x8c: {  	v45 =	vadd.s32 s30, v0;
	_ =	sdelay $0x3  }
0x8d: {  	[tilespmem:s19+$0xC0] =	vst v32  }
0x8e: {  	s31 =	simm.s32 $0x2BC1;
	v32 =	vld.idx.msk [tilespmem:v45+s2+$0x0], $0xffff  }
0x8f: {  	v46 =	vadd.s32 s31, v0;
	_ =	sdelay $0x3  }
0x90: {  	[tilespmem:s19+$0xD0] =	vst v32  }
0x91: {  	s21 =	simm.s32 $0x2EE1;
	v32 =	vld.idx.msk [tilespmem:v46+s2+$0x0], $0xffff  }
0x92: {  	v47 =	vadd.s32 s21, v0;
	_ =	sdelay $0x3  }
0x93: {  	[tilespmem:s19+$0xE0] =	vst v32  }
0x94: {  	s22 =	simm.s32 $0x3201;
	v32 =	vld.idx.msk [tilespmem:v47+s2+$0x0], $0xffff  }
0x95: {  	v48 =	vadd.s32 s22, v0;
	_ =	sdelay $0x3  }
0x96: {  	[tilespmem:s19+$0xF0] =	vst v32  }
0x97: {  	s23 =	simm.s32 $0x3521;
	v32 =	vld.idx.msk [tilespmem:v48+s2+$0x0], $0xffff  }
0x98: {  	v49 =	vadd.s32 s23, v0;
	_ =	sdelay $0x3  }
0x99: {  	[tilespmem:s19+$0x100] =	vst v32  }
0x9a: {  	s24 =	simm.s32 $0x3841;
	v32 =	vld.idx.msk [tilespmem:v49+s2+$0x0], $0xffff  }
0x9b: {  	v50 =	vadd.s32 s24, v0;
	_ =	sdelay $0x3  }
0x9c: {  	[tilespmem:s19+$0x110] =	vst v32  }
0x9d: {  	s25 =	simm.s32 $0x3B61;
	v32 =	vld.idx.msk [tilespmem:v50+s2+$0x0], $0xffff  }
0x9e: {  	v51 =	vadd.s32 s25, v0;
	_ =	sdelay $0x3  }
0x9f: {  	[tilespmem:s19+$0x120] =	vst v32  }
0xa0: {  	s26 =	simm.s32 $0x3E81;
	v32 =	vld.idx.msk [tilespmem:v51+s2+$0x0], $0xffff  }
0xa1: {  	v52 =	vadd.s32 s26, v0;
	_ =	sdelay $0x3  }
0xa2: {  	[tilespmem:s19+$0x130] =	vst v32  }
0xa3: {  	s28 =	simm.s32 $0x41A1;
	v32 =	vld.idx.msk [tilespmem:v52+s2+$0x0], $0xffff  }
0xa4: {  	v53 =	vadd.s32 s28, v0;
	_ =	sdelay $0x3  }
0xa5: {  	[tilespmem:s19+$0x140] =	vst v32  }
0xa6: {  	s29 =	simm.s32 $0x44C1;
	v32 =	vld.idx.msk [tilespmem:v53+s2+$0x0], $0xffff  }
0xa7: {  	v54 =	vadd.s32 s29, v0;
	_ =	sdelay $0x3  }
0xa8: {  	[tilespmem:s19+$0x150] =	vst v32  }
0xa9: {  	s30 =	simm.s32 $0x47E1;
	v32 =	vld.idx.msk [tilespmem:v54+s2+$0x0], $0xffff  }
0xaa: {  	v55 =	vadd.s32 s30, v0;
	_ =	sdelay $0x3  }
0xab: {  	[tilespmem:s19+$0x160] =	vst v32  }
0xac: {  	s31 =	simm.s32 $0x4B01;
	v32 =	vld.idx.msk [tilespmem:v55+s2+$0x0], $0xffff  }
0xad: {  	v56 =	vadd.s32 s31, v0;
	_ =	sdelay $0x3  }
0xae: {  	[tilespmem:s19+$0x170] =	vst v32  }
0xaf: {  	s21 =	simm.s32 $0x4E21;
	v32 =	vld.idx.msk [tilespmem:v56+s2+$0x0], $0xffff  }
0xb0: {  	v57 =	vadd.s32 s21, v0;
	_ =	sdelay $0x3  }
0xb1: {  	[tilespmem:s19+$0x180] =	vst v32  }
0xb2: {  	s22 =	simm.s32 $0x5141;
	v32 =	vld.idx.msk [tilespmem:v57+s2+$0x0], $0xffff  }
0xb3: {  	v58 =	vadd.s32 s22, v0;
	_ =	sdelay $0x3  }
0xb4: {  	[tilespmem:s19+$0x190] =	vst v32  }
0xb5: {  	s23 =	simm.s32 $0x5461;
	v32 =	vld.idx.msk [tilespmem:v58+s2+$0x0], $0xffff  }
0xb6: {  	v59 =	vadd.s32 s23, v0;
	_ =	sdelay $0x3  }
0xb7: {  	[tilespmem:s19+$0x1A0] =	vst v32  }
0xb8: {  	s24 =	simm.s32 $0x5781;
	v32 =	vld.idx.msk [tilespmem:v59+s2+$0x0], $0xffff  }
0xb9: {  	v60 =	vadd.s32 s24, v0;
	_ =	sdelay $0x3  }
0xba: {  	[tilespmem:s19+$0x1B0] =	vst v32  }
0xbb: {  	s25 =	simm.s32 $0x5AA1;
	v32 =	vld.idx.msk [tilespmem:v60+s2+$0x0], $0xffff  }
0xbc: {  	v61 =	vadd.s32 s25, v0;
	_ =	sdelay $0x3  }
0xbd: {  	[tilespmem:s19+$0x1C0] =	vst v32  }
0xbe: {  	s26 =	simm.s32 $0x5DC1;
	v32 =	vld.idx.msk [tilespmem:v61+s2+$0x0], $0xffff  }
0xbf: {  	v62 =	vadd.s32 s26, v0;
	_ =	sdelay $0x3  }
0xc0: {  	[tilespmem:s19+$0x1D0] =	vst v32  }
0xc1: {  	s28 =	simm.s32 $0x60E1;
	v32 =	vld.idx.msk [tilespmem:v62+s2+$0x0], $0xffff  }
0xc2: {  	v63 =	vadd.s32 s28, v0;
	_ =	sdelay $0x3  }
0xc3: {  	[tilespmem:s19+$0x1E0] =	vst v32  }
0xc4: {  	v32 =	vld.idx.msk [tilespmem:v63+s2+$0x0], $0xffff;
	_ =	sdelay $0x4  }
0xc5: {  	s31 =	simm.s32 $0x2;
	[tilespmem:s19+$0x1F0] =	vst v32  }
0xc6: {  	[tilespmem:s10], [sflag:$0x1] =	stream.indirect.gather.add.f32 [hbm:s3], $0x40, s19, s8, $0xb8;
	[tilespmem:$0x14800] =	vst v63  }
0xc7: {  	s20 =	simm.s32 $0x60E2;
	s29 =	simm.s32 $0x6680;
	s30 =	simm.s32 $0x6700;
	v32 =	vadd.s32 s31, v0  }
0xc8: {  	[tilespmem:s12], [sflag:$0x1] =	stream.indirect.gather.add.f32 [hbm:s3], $0x40, s29, s8, $0xb8;
	[tilespmem:$0x14800] =	vst v63  }
0xc9: {  	s21 =	simm.s32 $0x60E3;
	s22 =	simm.s32 $0x6780;
	s19 =	simm.s32 $0x6800  }
0xca: {  	[tilespmem:s14], [sflag:$0x1] =	stream.indirect.gather.add.f32 [hbm:s3], $0x40, s30, s8, $0xb8;
	[tilespmem:$0x14800] =	vst v63  }
.LBB2_2:
0xcb: {  	[tilespmem:s16], [sflag:$0x1] =	stream.indirect.gather.add.f32 [hbm:s3], $0x40, s22, s8, $0xb8;
	[tilespmem:$0x14800] =	vst v63  }
0xcc: {  	p0 =	sne.s32 s21, $0x6111;
	s22 =	smov.u32 s21;
	s21 =	sadd.s32 $0x1, s21;
	v32 =	vld.idx.msk [tilespmem:v32+s2+$0x0], $0xffff  }
0xcd: {  	s23 =	sadd.s32 $0xFFFFA240, s20  }
0xce: {  	v33 =	vadd.s32 s23, v0;
	_ =	sdelay $0x3  }
0xcf: {  	[tilespmem:s19+$0x0] =	vst v32  }
0xd0: {  	v32 =	vld.idx.msk [tilespmem:v33+s2+$0x0], $0xffff  }
0xd1: {  	s23 =	sadd.s32 $0xFFFFA560, s20  }
0xd2: {  	v33 =	vadd.s32 s23, v0;
	_ =	sdelay $0x3  }
0xd3: {  	[tilespmem:s19+$0x10] =	vst v32  }
0xd4: {  	v32 =	vld.idx.msk [tilespmem:v33+s2+$0x0], $0xffff  }
0xd5: {  	s23 =	sadd.s32 $0xFFFFA880, s20  }
0xd6: {  	v33 =	vadd.s32 s23, v0;
	_ =	sdelay $0x3  }
0xd7: {  	[tilespmem:s19+$0x20] =	vst v32  }
0xd8: {  	v32 =	vld.idx.msk [tilespmem:v33+s2+$0x0], $0xffff  }
0xd9: {  	s23 =	sadd.s32 $0xFFFFABA0, s20  }
0xda: {  	v33 =	vadd.s32 s23, v0;
	_ =	sdelay $0x3  }
0xdb: {  	[tilespmem:s19+$0x30] =	vst v32  }
0xdc: {  	v32 =	vld.idx.msk [tilespmem:v33+s2+$0x0], $0xffff  }
0xdd: {  	s23 =	sadd.s32 $0xFFFFAEC0, s20  }
0xde: {  	v33 =	vadd.s32 s23, v0;
	_ =	sdelay $0x3  }
0xdf: {  	[tilespmem:s19+$0x40] =	vst v32  }
0xe0: {  	v32 =	vld.idx.msk [tilespmem:v33+s2+$0x0], $0xffff  }
0xe1: {  	s23 =	sadd.s32 $0xFFFFB1E0, s20  }
0xe2: {  	v33 =	vadd.s32 s23, v0;
	_ =	sdelay $0x3  }
0xe3: {  	[tilespmem:s19+$0x50] =	vst v32  }
0xe4: {  	v32 =	vld.idx.msk [tilespmem:v33+s2+$0x0], $0xffff  }
0xe5: {  	s23 =	sadd.s32 $0xFFFFB500, s20  }
0xe6: {  	v33 =	vadd.s32 s23, v0;
	_ =	sdelay $0x3  }
0xe7: {  	[tilespmem:s19+$0x60] =	vst v32  }
0xe8: {  	v32 =	vld.idx.msk [tilespmem:v33+s2+$0x0], $0xffff  }
0xe9: {  	s23 =	sadd.s32 $0xFFFFB820, s20  }
0xea: {  	v33 =	vadd.s32 s23, v0;
	_ =	sdelay $0x3  }
0xeb: {  	[tilespmem:s19+$0x70] =	vst v32  }
0xec: {  	v32 =	vld.idx.msk [tilespmem:v33+s2+$0x0], $0xffff  }
0xed: {  	s23 =	sadd.s32 $0xFFFFBB40, s20  }
0xee: {  	v33 =	vadd.s32 s23, v0;
	_ =	sdelay $0x3  }
0xef: {  	[tilespmem:s19+$0x80] =	vst v32  }
0xf0: {  	v32 =	vld.idx.msk [tilespmem:v33+s2+$0x0], $0xffff  }
0xf1: {  	s23 =	sadd.s32 $0xFFFFBE60, s20  }
0xf2: {  	v33 =	vadd.s32 s23, v0;
	_ =	sdelay $0x3  }
0xf3: {  	[tilespmem:s19+$0x90] =	vst v32  }
0xf4: {  	v32 =	vld.idx.msk [tilespmem:v33+s2+$0x0], $0xffff  }
0xf5: {  	s23 =	sadd.s32 $0xFFFFC180, s20  }
0xf6: {  	v33 =	vadd.s32 s23, v0;
	_ =	sdelay $0x3  }
0xf7: {  	[tilespmem:s19+$0xA0] =	vst v32  }
0xf8: {  	v32 =	vld.idx.msk [tilespmem:v33+s2+$0x0], $0xffff  }
0xf9: {  	s23 =	sadd.s32 $0xFFFFC4A0, s20  }
0xfa: {  	v33 =	vadd.s32 s23, v0;
	_ =	sdelay $0x3  }
0xfb: {  	[tilespmem:s19+$0xB0] =	vst v32  }
0xfc: {  	v32 =	vld.idx.msk [tilespmem:v33+s2+$0x0], $0xffff  }
0xfd: {  	s23 =	sadd.s32 $0xFFFFC7C0, s20  }
0xfe: {  	v33 =	vadd.s32 s23, v0;
	_ =	sdelay $0x3  }
0xff: {  	[tilespmem:s19+$0xC0] =	vst v32  }
0x100: {  	v32 =	vld.idx.msk [tilespmem:v33+s2+$0x0], $0xffff  }
0x101: {  	s23 =	sadd.s32 $0xFFFFCAE0, s20  }
0x102: {  	v33 =	vadd.s32 s23, v0;
	_ =	sdelay $0x3  }
0x103: {  	[tilespmem:s19+$0xD0] =	vst v32  }
0x104: {  	v32 =	vld.idx.msk [tilespmem:v33+s2+$0x0], $0xffff  }
0x105: {  	s23 =	sadd.s32 $0xFFFFCE00, s20  }
0x106: {  	v33 =	vadd.s32 s23, v0;
	_ =	sdelay $0x3  }
0x107: {  	[tilespmem:s19+$0xE0] =	vst v32  }
0x108: {  	v32 =	vld.idx.msk [tilespmem:v33+s2+$0x0], $0xffff  }
0x109: {  	s23 =	sadd.s32 $0xFFFFD120, s20  }
0x10a: {  	v33 =	vadd.s32 s23, v0;
	_ =	sdelay $0x3  }
0x10b: {  	[tilespmem:s19+$0xF0] =	vst v32  }
0x10c: {  	v32 =	vld.idx.msk [tilespmem:v33+s2+$0x0], $0xffff  }
0x10d: {  	s23 =	sadd.s32 $0xFFFFD440, s20  }
0x10e: {  	v33 =	vadd.s32 s23, v0;
	_ =	sdelay $0x3  }
0x10f: {  	[tilespmem:s19+$0x100] =	vst v32  }
0x110: {  	v32 =	vld.idx.msk [tilespmem:v33+s2+$0x0], $0xffff  }
0x111: {  	s23 =	sadd.s32 $0xFFFFD760, s20  }
0x112: {  	v33 =	vadd.s32 s23, v0;
	_ =	sdelay $0x3  }
0x113: {  	[tilespmem:s19+$0x110] =	vst v32  }
0x114: {  	v32 =	vld.idx.msk [tilespmem:v33+s2+$0x0], $0xffff  }
0x115: {  	s23 =	sadd.s32 $0xFFFFDA80, s20  }
0x116: {  	v33 =	vadd.s32 s23, v0;
	_ =	sdelay $0x3  }
0x117: {  	[tilespmem:s19+$0x120] =	vst v32  }
0x118: {  	v32 =	vld.idx.msk [tilespmem:v33+s2+$0x0], $0xffff  }
0x119: {  	s23 =	sadd.s32 $0xFFFFDDA0, s20  }
0x11a: {  	v33 =	vadd.s32 s23, v0;
	_ =	sdelay $0x3  }
0x11b: {  	[tilespmem:s19+$0x130] =	vst v32  }
0x11c: {  	v32 =	vld.idx.msk [tilespmem:v33+s2+$0x0], $0xffff  }
0x11d: {  	s23 =	sadd.s32 $0xFFFFE0C0, s20  }
0x11e: {  	v33 =	vadd.s32 s23, v0;
	_ =	sdelay $0x3  }
0x11f: {  	[tilespmem:s19+$0x140] =	vst v32  }
0x120: {  	v32 =	vld.idx.msk [tilespmem:v33+s2+$0x0], $0xffff  }
0x121: {  	s23 =	sadd.s32 $0xFFFFE3E0, s20  }
0x122: {  	v33 =	vadd.s32 s23, v0;
	_ =	sdelay $0x3  }
0x123: {  	[tilespmem:s19+$0x150] =	vst v32  }
0x124: {  	v32 =	vld.idx.msk [tilespmem:v33+s2+$0x0], $0xffff  }
0x125: {  	s23 =	sadd.s32 $0xFFFFE700, s20  }
0x126: {  	v33 =	vadd.s32 s23, v0;
	_ =	sdelay $0x3  }
0x127: {  	[tilespmem:s19+$0x160] =	vst v32  }
0x128: {  	v32 =	vld.idx.msk [tilespmem:v33+s2+$0x0], $0xffff  }
0x129: {  	s23 =	sadd.s32 $0xFFFFEA20, s20  }
0x12a: {  	v33 =	vadd.s32 s23, v0;
	_ =	sdelay $0x3  }
0x12b: {  	[tilespmem:s19+$0x170] =	vst v32  }
0x12c: {  	v32 =	vld.idx.msk [tilespmem:v33+s2+$0x0], $0xffff  }
0x12d: {  	s23 =	sadd.s32 $0xFFFFED40, s20  }
0x12e: {  	v33 =	vadd.s32 s23, v0;
	_ =	sdelay $0x3  }
0x12f: {  	[tilespmem:s19+$0x180] =	vst v32  }
0x130: {  	v32 =	vld.idx.msk [tilespmem:v33+s2+$0x0], $0xffff  }
0x131: {  	s23 =	sadd.s32 $0xFFFFF060, s20  }
0x132: {  	v33 =	vadd.s32 s23, v0;
	_ =	sdelay $0x3  }
0x133: {  	[tilespmem:s19+$0x190] =	vst v32  }
0x134: {  	v32 =	vld.idx.msk [tilespmem:v33+s2+$0x0], $0xffff  }
0x135: {  	s23 =	sadd.s32 $0xFFFFF380, s20  }
0x136: {  	v33 =	vadd.s32 s23, v0;
	_ =	sdelay $0x3  }
0x137: {  	[tilespmem:s19+$0x1A0] =	vst v32  }
0x138: {  	v32 =	vld.idx.msk [tilespmem:v33+s2+$0x0], $0xffff  }
0x139: {  	s23 =	sadd.s32 $0xFFFFF6A0, s20  }
0x13a: {  	v33 =	vadd.s32 s23, v0;
	_ =	sdelay $0x3  }
0x13b: {  	[tilespmem:s19+$0x1B0] =	vst v32  }
0x13c: {  	v32 =	vld.idx.msk [tilespmem:v33+s2+$0x0], $0xffff  }
0x13d: {  	s23 =	sadd.s32 $0xFFFFF9C0, s20  }
0x13e: {  	v33 =	vadd.s32 s23, v0;
	_ =	sdelay $0x3  }
0x13f: {  	[tilespmem:s19+$0x1C0] =	vst v32  }
0x140: {  	v32 =	vld.idx.msk [tilespmem:v33+s2+$0x0], $0xffff  }
0x141: {  	s23 =	sadd.s32 $0xFFFFFCE0, s20  }
0x142: {  	v33 =	vadd.s32 s23, v0;
	_ =	sdelay $0x3  }
0x143: {  	[tilespmem:s19+$0x1D0] =	vst v32  }
0x144: {  	v32 =	vld.idx.msk [tilespmem:v33+s2+$0x0], $0xffff;
	_ =	sdelay $0x1  }
0x145: {  	v33 =	vadd.s32 s20, v0;
	s20 =	smov.u32 s22;
	_ =	sdelay $0x3  }
0x146: {  	[tilespmem:s19+$0x1E0] =	vst v32  }
0x147: {  	v32 =	vld.idx.msk [tilespmem:v33+s2+$0x0], $0xffff;
	_ =	sdelay $0x5  }
0x148: {  	[tilespmem:s19+$0x1F0] =	vst v32  }
0x149: {  	[tilespmem:s10], [sflag:$0x1] =	stream.indirect.gather.add.f32 [hbm:s3], $0x40, s19, s8, $0xb8;
	[tilespmem:$0x14800] =	vst v63  }
.Ltmp0:
0x14a: {  	s23 =	sadd.s32 $0x80, s19;
	s22 =	sadd.s32 $0xFFFF9F20, s20;
	(pc) =	sbr.rel @p0 .LBB2_2-.Ltmp0, $4  }
0x14b: {  	v32 =	vadd.s32 s22, v0;
	[tilespmem:s12], [sflag:$0x1] =	stream.indirect.gather.add.f32 [hbm:s3], $0x40, s23, s8, $0xb8;
	[tilespmem:$0x14800] =	vst v63  }
0x14c: {  	s22 =	sadd.s32 $0x100, s19  }
0x14d: {  	[tilespmem:s14], [sflag:$0x1] =	stream.indirect.gather.add.f32 [hbm:s3], $0x40, s22, s8, $0xb8;
	[tilespmem:$0x14800] =	vst v63  }
0x14e: {  	s22 =	sadd.s32 $0x180, s19;
	s19 =	sadd.s32 $0x200, s19  }
0x14f: {  	_ =	sdelay $0x2  }
0x150: {  	[tilespmem:s16], [sflag:$0x1] =	stream.indirect.gather.add.f32 [hbm:s3], $0x40, s22, s8, $0xb8;
	[tilespmem:$0x14800] =	vst v63  }
0x151: {  	s21 =	sadd.s32 $0xFFFFA240, s20;
	v32 =	vld.idx.msk [tilespmem:v32+s2+$0x0], $0xffff  }
0x152: {  	v33 =	vadd.s32 s21, v0;
	_ =	sdelay $0x3  }
0x153: {  	[tilespmem:s19+$0x0] =	vst v32  }
0x154: {  	s26 =	sadd.s32 $0xFFFFA560, s20;
	v32 =	vld.idx.msk [tilespmem:v33+s2+$0x0], $0xffff  }
0x155: {  	v62 =	vadd.s32 s26, v0;
	_ =	sdelay $0x3  }
0x156: {  	[tilespmem:s19+$0x10] =	vst v32  }
0x157: {  	s28 =	sadd.s32 $0xFFFFA880, s20;
	v32 =	vld.idx.msk [tilespmem:v62+s2+$0x0], $0xffff  }
0x158: {  	v63 =	vadd.s32 s28, v0;
	_ =	sdelay $0x3  }
0x159: {  	[tilespmem:s19+$0x20] =	vst v32  }
0x15a: {  	s29 =	sadd.s32 $0xFFFFABA0, s20;
	v32 =	vld.idx.msk [tilespmem:v63+s2+$0x0], $0xffff  }
0x15b: {  	v36 =	vadd.s32 s29, v0;
	_ =	sdelay $0x3  }
0x15c: {  	[tilespmem:s19+$0x30] =	vst v32  }
0x15d: {  	s30 =	sadd.s32 $0xFFFFAEC0, s20;
	v32 =	vld.idx.msk [tilespmem:v36+s2+$0x0], $0xffff  }
0x15e: {  	v37 =	vadd.s32 s30, v0;
	_ =	sdelay $0x3  }
0x15f: {  	[tilespmem:s19+$0x40] =	vst v32  }
0x160: {  	s31 =	sadd.s32 $0xFFFFB1E0, s20;
	v32 =	vld.idx.msk [tilespmem:v37+s2+$0x0], $0xffff  }
0x161: {  	v38 =	vadd.s32 s31, v0;
	_ =	sdelay $0x3  }
0x162: {  	[tilespmem:s19+$0x50] =	vst v32  }
0x163: {  	s22 =	sadd.s32 $0xFFFFB500, s20;
	v32 =	vld.idx.msk [tilespmem:v38+s2+$0x0], $0xffff  }
0x164: {  	v39 =	vadd.s32 s22, v0;
	_ =	sdelay $0x3  }
0x165: {  	[tilespmem:s19+$0x60] =	vst v32  }
0x166: {  	s23 =	sadd.s32 $0xFFFFB820, s20;
	v32 =	vld.idx.msk [tilespmem:v39+s2+$0x0], $0xffff  }
0x167: {  	v40 =	vadd.s32 s23, v0;
	_ =	sdelay $0x3  }
0x168: {  	[tilespmem:s19+$0x70] =	vst v32  }
0x169: {  	s24 =	sadd.s32 $0xFFFFBB40, s20;
	v32 =	vld.idx.msk [tilespmem:v40+s2+$0x0], $0xffff  }
0x16a: {  	v41 =	vadd.s32 s24, v0;
	_ =	sdelay $0x3  }
0x16b: {  	[tilespmem:s19+$0x80] =	vst v32  }
0x16c: {  	s25 =	sadd.s32 $0xFFFFBE60, s20;
	v32 =	vld.idx.msk [tilespmem:v41+s2+$0x0], $0xffff  }
0x16d: {  	v42 =	vadd.s32 s25, v0;
	_ =	sdelay $0x3  }
0x16e: {  	[tilespmem:s19+$0x90] =	vst v32  }
0x16f: {  	s26 =	sadd.s32 $0xFFFFC180, s20;
	v32 =	vld.idx.msk [tilespmem:v42+s2+$0x0], $0xffff  }
0x170: {  	v43 =	vadd.s32 s26, v0;
	_ =	sdelay $0x3  }
0x171: {  	[tilespmem:s19+$0xA0] =	vst v32  }
0x172: {  	s28 =	sadd.s32 $0xFFFFC4A0, s20;
	v32 =	vld.idx.msk [tilespmem:v43+s2+$0x0], $0xffff  }
0x173: {  	v44 =	vadd.s32 s28, v0;
	_ =	sdelay $0x3  }
0x174: {  	[tilespmem:s19+$0xB0] =	vst v32  }
0x175: {  	s29 =	sadd.s32 $0xFFFFC7C0, s20;
	v32 =	vld.idx.msk [tilespmem:v44+s2+$0x0], $0xffff  }
0x176: {  	v45 =	vadd.s32 s29, v0;
	_ =	sdelay $0x3  }
0x177: {  	[tilespmem:s19+$0xC0] =	vst v32  }
0x178: {  	s30 =	sadd.s32 $0xFFFFCAE0, s20;
	v32 =	vld.idx.msk [tilespmem:v45+s2+$0x0], $0xffff  }
0x179: {  	v46 =	vadd.s32 s30, v0;
	_ =	sdelay $0x3  }
0x17a: {  	[tilespmem:s19+$0xD0] =	vst v32  }
0x17b: {  	s31 =	sadd.s32 $0xFFFFCE00, s20;
	v32 =	vld.idx.msk [tilespmem:v46+s2+$0x0], $0xffff  }
0x17c: {  	v47 =	vadd.s32 s31, v0;
	_ =	sdelay $0x3  }
0x17d: {  	[tilespmem:s19+$0xE0] =	vst v32  }
0x17e: {  	s22 =	sadd.s32 $0xFFFFD120, s20;
	v32 =	vld.idx.msk [tilespmem:v47+s2+$0x0], $0xffff  }
0x17f: {  	v48 =	vadd.s32 s22, v0;
	_ =	sdelay $0x3  }
0x180: {  	[tilespmem:s19+$0xF0] =	vst v32  }
0x181: {  	s23 =	sadd.s32 $0xFFFFD440, s20;
	v32 =	vld.idx.msk [tilespmem:v48+s2+$0x0], $0xffff  }
0x182: {  	v49 =	vadd.s32 s23, v0;
	_ =	sdelay $0x3  }
0x183: {  	[tilespmem:s19+$0x100] =	vst v32  }
0x184: {  	s24 =	sadd.s32 $0xFFFFD760, s20;
	v32 =	vld.idx.msk [tilespmem:v49+s2+$0x0], $0xffff  }
0x185: {  	v50 =	vadd.s32 s24, v0;
	_ =	sdelay $0x3  }
0x186: {  	[tilespmem:s19+$0x110] =	vst v32  }
0x187: {  	s25 =	sadd.s32 $0xFFFFDA80, s20;
	v32 =	vld.idx.msk [tilespmem:v50+s2+$0x0], $0xffff  }
0x188: {  	v51 =	vadd.s32 s25, v0;
	_ =	sdelay $0x3  }
0x189: {  	[tilespmem:s19+$0x120] =	vst v32  }
0x18a: {  	s26 =	sadd.s32 $0xFFFFDDA0, s20;
	v32 =	vld.idx.msk [tilespmem:v51+s2+$0x0], $0xffff  }
0x18b: {  	v52 =	vadd.s32 s26, v0;
	_ =	sdelay $0x3  }
0x18c: {  	[tilespmem:s19+$0x130] =	vst v32  }
0x18d: {  	s28 =	sadd.s32 $0xFFFFE0C0, s20;
	v32 =	vld.idx.msk [tilespmem:v52+s2+$0x0], $0xffff  }
0x18e: {  	v53 =	vadd.s32 s28, v0;
	_ =	sdelay $0x3  }
0x18f: {  	[tilespmem:s19+$0x140] =	vst v32  }
0x190: {  	s29 =	sadd.s32 $0xFFFFE3E0, s20;
	v32 =	vld.idx.msk [tilespmem:v53+s2+$0x0], $0xffff  }
0x191: {  	v54 =	vadd.s32 s29, v0;
	_ =	sdelay $0x3  }
0x192: {  	[tilespmem:s19+$0x150] =	vst v32  }
0x193: {  	s30 =	sadd.s32 $0xFFFFE700, s20;
	v32 =	vld.idx.msk [tilespmem:v54+s2+$0x0], $0xffff  }
0x194: {  	v55 =	vadd.s32 s30, v0;
	_ =	sdelay $0x3  }
0x195: {  	[tilespmem:s19+$0x160] =	vst v32  }
0x196: {  	s31 =	sadd.s32 $0xFFFFEA20, s20;
	v32 =	vld.idx.msk [tilespmem:v55+s2+$0x0], $0xffff  }
0x197: {  	v56 =	vadd.s32 s31, v0;
	_ =	sdelay $0x3  }
0x198: {  	[tilespmem:s19+$0x170] =	vst v32  }
0x199: {  	s22 =	sadd.s32 $0xFFFFED40, s20;
	v32 =	vld.idx.msk [tilespmem:v56+s2+$0x0], $0xffff  }
0x19a: {  	v57 =	vadd.s32 s22, v0;
	_ =	sdelay $0x3  }
0x19b: {  	[tilespmem:s19+$0x180] =	vst v32  }
0x19c: {  	s23 =	sadd.s32 $0xFFFFF060, s20;
	v32 =	vld.idx.msk [tilespmem:v57+s2+$0x0], $0xffff  }
0x19d: {  	v58 =	vadd.s32 s23, v0;
	_ =	sdelay $0x3  }
0x19e: {  	[tilespmem:s19+$0x190] =	vst v32  }
0x19f: {  	s24 =	sadd.s32 $0xFFFFF380, s20;
	v32 =	vld.idx.msk [tilespmem:v58+s2+$0x0], $0xffff  }
0x1a0: {  	v59 =	vadd.s32 s24, v0;
	_ =	sdelay $0x3  }
0x1a1: {  	[tilespmem:s19+$0x1A0] =	vst v32  }
0x1a2: {  	s25 =	sadd.s32 $0xFFFFF6A0, s20;
	v32 =	vld.idx.msk [tilespmem:v59+s2+$0x0], $0xffff  }
0x1a3: {  	v60 =	vadd.s32 s25, v0;
	_ =	sdelay $0x3  }
0x1a4: {  	[tilespmem:s19+$0x1B0] =	vst v32  }
0x1a5: {  	s26 =	sadd.s32 $0xFFFFF9C0, s20;
	v32 =	vld.idx.msk [tilespmem:v60+s2+$0x0], $0xffff  }
0x1a6: {  	v61 =	vadd.s32 s26, v0;
	_ =	sdelay $0x3  }
0x1a7: {  	[tilespmem:s19+$0x1C0] =	vst v32  }
0x1a8: {  	s28 =	sadd.s32 $0xFFFFFCE0, s20;
	v32 =	vld.idx.msk [tilespmem:v61+s2+$0x0], $0xffff  }
0x1a9: {  	v62 =	vadd.s32 s28, v0;
	_ =	sdelay $0x3  }
0x1aa: {  	[tilespmem:s19+$0x1D0] =	vst v32  }
0x1ab: {  	v32 =	vld.idx.msk [tilespmem:v62+s2+$0x0], $0xffff  }
0x1ac: {  	v63 =	vadd.s32 s20, v0;
	_ =	sdelay $0x3  }
0x1ad: {  	[tilespmem:s19+$0x1E0] =	vst v32  }
0x1ae: {  	v32 =	vld.idx.msk [tilespmem:v63+s2+$0x0], $0xffff;
	_ =	sdelay $0x4  }
0x1af: {  	[tilespmem:s19+$0x1F0] =	vst v32  }
0x1b0: {  	[tilespmem:s10], [sflag:$0x1] =	stream.indirect.gather.add.f32 [hbm:s3], $0x40, s19, s8, $0xb8;
	[tilespmem:$0x14800] =	vst v63  }
0x1b1: {  	s29 =	sadd.s32 $0x80, s19  }
0x1b2: {  	[tilespmem:s12], [sflag:$0x1] =	stream.indirect.gather.add.f32 [hbm:s3], $0x40, s29, s8, $0xb8;
	[tilespmem:$0x14800] =	vst v63  }
0x1b3: {  	s30 =	sadd.s32 $0x100, s19  }
0x1b4: {  	[tilespmem:s14], [sflag:$0x1] =	stream.indirect.gather.add.f32 [hbm:s3], $0x40, s30, s8, $0xb8;
	[tilespmem:$0x14800] =	vst v63  }
0x1b5: {  	s31 =	sadd.s32 $0x180, s19  }
0x1b6: {  	[tilespmem:s16], [sflag:$0x1] =	stream.indirect.gather.add.f32 [hbm:s3], $0x40, s31, s8, $0xb8;
	[tilespmem:$0x14800] =	vst v63  }
0x1b7: {  	_ =	swait.ge [sflag:s17], $0x2000  }
0x1b8: {  	[sflag:s17] =	ssyncset.done $0x0  }
0x1b9: {  	[sflag:s17] =	ssyncadd.s32 $0xFFFFE000  }
0x1ba: {  	_ =	swait.ge [sflag:s17], $0x2000  }
0x1bb: {  	[sflag:s17] =	ssyncset.done $0x0  }
0x1bc: {  	[sflag:s17] =	ssyncadd.s32 $0xFFFFE000  }
0x1bd: {  	_ =	swait.ge [sflag:s17], $0x2000  }
0x1be: {  	[sflag:s17] =	ssyncset.done $0x0  }
0x1bf: {  	[sflag:s17] =	ssyncadd.s32 $0xFFFFE000  }
0x1c0: {  	_ =	swait.ge [sflag:s17], $0x2000  }
0x1c1: {  	s19 =	simm.s32 $0x30;
	[sflag:s17] =	ssyncset.done $0x0  }
.LBB2_4:
0x1c2: {  	p0 =	sne.s32 s19, $0x1;
	s19 =	sadd.s32 $0xFFFFFFFF, s19;
	[sflag:s17] =	ssyncadd.s32 $0xFFFFE000  }
0x1c3: {  	_ =	swait.ge [sflag:s17], $0x2000  }
0x1c4: {  	[sflag:s17] =	ssyncset.done $0x0  }
0x1c5: {  	[sflag:s17] =	ssyncadd.s32 $0xFFFFE000  }
0x1c6: {  	_ =	swait.ge [sflag:s17], $0x2000  }
0x1c7: {  	[sflag:s17] =	ssyncset.done $0x0  }
0x1c8: {  	[sflag:s17] =	ssyncadd.s32 $0xFFFFE000  }
.Ltmp1:
0x1c9: {  	_ =	swait.ge [sflag:s17], $0x2000;
	(pc) =	sbr.rel @p0 .LBB2_4-.Ltmp1, $4  }
0x1ca: {  	[sflag:s17] =	ssyncset.done $0x0  }
0x1cb: {  	[sflag:s17] =	ssyncadd.s32 $0xFFFFE000  }
0x1cc: {  	_ =	swait.ge [sflag:s17], $0x2000  }
0x1cd: {  	[sflag:s17] =	ssyncset.done $0x0  }
0x1ce: {  	s18 =	sadd.s32 $0x1, s18  }
0x1cf: {  	p0 =	sne.s32 s18, s6  }
.Ltmp2:
0x1d0: {  	[sflag:s17] =	ssyncadd.s32 $0xFFFFE000;
	(pc) =	sbr.rel @p0 .LBB2_1-.Ltmp2, $4  }
0x1d1: {  	[hbm4b:s5+s2] =	stream.linear.scatter [tilespmem:s10], [sflag:$0x2], $0x8000, $0x38;
	[tilespmem:$0x14800] =	vst v63  }
0x1d2: {  	_ =	swait.ge [sflag:s7], $0x8000  }
0x1d3: {  	[sflag:s7] =	ssyncset.done $0x0  }
0x1d4: {  	[sflag:s7] =	ssyncadd.s32 $0xFFFF8000  }
0x1d5: {  	_ =	sfence.sel $0x180000  }
0x1d6: {  	[bflag:$0x0] =	sbarrier.arrive $0xFFFF  }
0x1d7: {  	p0 =	sne.s32 s1, $0x0;
	_ =	strace $0x90000047  }
0x1d8: {  	s0 =	sadd.s32 @!p0 $0x100000, s0;
	[bflag:$0x2] =	sbarrier.arrive $0xFFFF  }
0x1d9: {  	[sflag:s0] =	ssyncadd.tile.s32 @!p0 $0x1;
	_ =	shalt  }
.Lfunc_end2:
_tile_overlayer_lowered:
.L_overlay_start_2:
0x1da: {  	(tag) =	ssettag $0x2  }
0x1db: {  	s0 =	rddreg [dreg:$0x0];
	s2 =	stileid.u32  }
0x1dc: {  	s1 =	rddreg [dreg:$0x1];
	p0 =	sne.s32 s2, $0x0  }
0x1dd: {  	s3 =	rddreg [dreg:$0x2];
	[bflag:$0x3] =	sbarrier.arrive $0xFFFF;
	s2 =	simm.s32 @!p0 $0x1C02  }
0x1de: {  	[timem:s3], [sflag:s2] =	dma.local @!p0 [hbm:s0], s1  }
0x1df: {  	s0 =	simm.s32 @!p0 $0x2  }
0x1e0: {  	_ =	swait.ge @!p0 [sflag:s0], s1  }
0x1e1: {  	s1 =	ssub.s32 @!p0 $0x0, s1;
	[sflag:s0] =	ssyncset.done @!p0 $0x0  }
0x1e2: {  	[sflag:s0] =	ssyncadd.s32 @!p0 s1  }
0x1e3: {  	[bflag:$0x3] =	sbarrier.arrive $0xFFFF  }
0x1e4: {  	_ =	shalt  }

</sc_bundles>
